<compile_context>
chip_gen: v7x
topology: tpu7x:2x2x1
jax: 0.10.2.dev20260603
libtpu: 0.0.44.dev20260713+nightly
codegen_flags: <defaults>
</compile_context>

<pallas_src>
import functools

import jax
import jax.numpy as jnp
from jax import lax
from jax.experimental import pallas as pl
from jax.experimental.pallas import tpu as pltpu
from jax.experimental.pallas import tpu_sc as plsc

NC = 2
NS = 16
NW = NC * NS
L = 16
IDX_CHUNK = 128


@functools.lru_cache(maxsize=None)
def _make_sc_kernel(batch, d):
    per_w = batch // NW
    chunks = per_w // IDX_CHUNK
    mesh = plsc.VectorSubcoreMesh(core_axis_name="c", subcore_axis_name="s")
    cp = pltpu.CompilerParams(needs_layout_passes=False,
                              use_tc_tiling_on_sc=False)

    @functools.partial(
        pl.kernel,
        compiler_params=cp,
        out_type=jax.ShapeDtypeStruct((batch,), jnp.float32),
        mesh=mesh,
        scratch_types=[
            pltpu.VMEM((chunks, IDX_CHUNK), jnp.int32),
            pltpu.VMEM((chunks, IDX_CHUNK), jnp.int32),
            pltpu.VMEM((chunks, IDX_CHUNK), jnp.int32),
            pltpu.VMEM((per_w, d), jnp.float32),
            pltpu.VMEM((per_w, d), jnp.float32),
            pltpu.VMEM((per_w, d), jnp.float32),
            pltpu.VMEM((per_w * L,), jnp.float32),
            pltpu.VMEM((per_w,), jnp.float32),
            pltpu.SemaphoreType.DMA,
        ],
    )
    def k(head_hbm, rel_hbm, tail_hbm, ent_hbm, relemb_hbm, out_hbm,
          hi_v, ri_v, ti_v, h_v, r_v, t_v, p_v, o_v, sem):
        wid = lax.axis_index("s") * NC + lax.axis_index("c")
        base = wid * per_w

        for j in range(chunks):
            src = pl.ds(base + j * IDX_CHUNK, IDX_CHUNK)
            pltpu.sync_copy(head_hbm.at[src], hi_v.at[j])
            pltpu.sync_copy(rel_hbm.at[src], ri_v.at[j])
            pltpu.sync_copy(tail_hbm.at[src], ti_v.at[j])

        copies = []
        for j in range(chunks):
            dst = pl.ds(j * IDX_CHUNK, IDX_CHUNK)
            copies.append(pltpu.async_copy(ent_hbm.at[hi_v.at[j]], h_v.at[dst], sem))
            copies.append(pltpu.async_copy(relemb_hbm.at[ri_v.at[j]], r_v.at[dst], sem))
            copies.append(pltpu.async_copy(ent_hbm.at[ti_v.at[j]], t_v.at[dst], sem))
        for cp in copies:
            cp.wait()

        @pl.loop(0, per_w)
        def _(i):
            acc = h_v[i, pl.ds(0, L)] * r_v[i, pl.ds(0, L)] * t_v[i, pl.ds(0, L)]
            for c in range(1, d // L):
                sl = pl.ds(c * L, L)
                acc = acc + h_v[i, sl] * r_v[i, sl] * t_v[i, sl]
            p_v[pl.ds(i * L, L)] = acc

        iota = lax.iota(jnp.int32, L)

        @pl.loop(0, per_w // L)
        def _(g):
            bidx = g * (L * L) + iota * L
            acc = plsc.load_gather(p_v, [bidx])
            for kk in range(1, L):
                acc = acc + plsc.load_gather(p_v, [bidx + kk])
            o_v[pl.ds(g * L, L)] = acc

        pltpu.sync_copy(o_v, out_hbm.at[pl.ds(base, per_w)])

    return k


def kernel(head, relation, tail, entity_embeddings, relation_embeddings):
    batch = head.shape[0]
    d = entity_embeddings.shape[1]
    k = _make_sc_kernel(batch, d)
    return k(head.astype(jnp.int32), relation.astype(jnp.int32),
             tail.astype(jnp.int32), entity_embeddings, relation_embeddings)

# --- scband reference (transcript-rebuilt; emitter-appended) ---
"""Pipeline reference for scband-dist-mult-model-78520592105542 (READ-ONLY COPY).

The authoritative reference and input builder live on the scoring server;
editing this copy changes nothing except your own understanding.
"""

import jax, jax.numpy as jnp
import numpy as np

NUM_ENTITIES = 1000000
NUM_RELATIONS = 1000
EMBED_DIM = 64
BATCH = 16384


def setup_inputs(seed: int = 0) -> dict:
    key = jax.random.key(seed)
    k1, k2, k3, k4, k5 = jax.random.split(key, 5)
    head = jax.random.randint(k1, (BATCH,), 0, NUM_ENTITIES, dtype=jnp.int64) if jax.config.jax_enable_x64 else jax.random.randint(k1, (BATCH,), 0, NUM_ENTITIES).astype(jnp.int32)
    relation = jax.random.randint(k2, (BATCH,), 0, NUM_RELATIONS).astype(head.dtype)
    tail = jax.random.randint(k3, (BATCH,), 0, NUM_ENTITIES).astype(head.dtype)
    # xavier_uniform: bound = sqrt(6 / (fan_in + fan_out))
    bound_e = float(np.sqrt(6.0 / (NUM_ENTITIES + EMBED_DIM)))
    bound_r = float(np.sqrt(6.0 / (NUM_RELATIONS + EMBED_DIM)))
    entity_embeddings = jax.random.uniform(k4, (NUM_ENTITIES, EMBED_DIM), dtype=jnp.float32, minval=-bound_e, maxval=bound_e)
    relation_embeddings = jax.random.uniform(k5, (NUM_RELATIONS, EMBED_DIM), dtype=jnp.float32, minval=-bound_r, maxval=bound_r)
    return {
        "head": head,
        "relation": relation,
        "tail": tail,
        "entity_embeddings": entity_embeddings,
        "relation_embeddings": relation_embeddings,
    }


def reference(head, relation, tail, entity_embeddings, relation_embeddings):
    h = jnp.take(entity_embeddings, head, axis=0)
    r = jnp.take(relation_embeddings, relation, axis=0)
    t = jnp.take(entity_embeddings, tail, axis=0)
    score = jnp.sum(h * r * t, axis=1)
    return score

if __name__ == "__main__":
    import jax
    _d = setup_inputs()
    print(jax.jit(kernel)(*tuple(_d.values())))

</pallas_src>

<mosaic_0001>
#map = affine_map<(d0, d1) -> (0)>
#map1 = affine_map<(d0, d1) -> (0, 0)>
module attributes {stable_mosaic.version = 14 : i64} {
  func.func @k(%arg0: i32, %arg1: i32, %arg2: memref<16384xi32, #tpu.memory_space<hbm>>, %arg3: memref<16384xi32, #tpu.memory_space<hbm>>, %arg4: memref<16384xi32, #tpu.memory_space<hbm>>, %arg5: memref<1000000x64xf32, #tpu.memory_space<hbm>>, %arg6: memref<1000x64xf32, #tpu.memory_space<hbm>>, %arg7: memref<16384xf32, #tpu.memory_space<hbm>>, %arg8: memref<4x128xi32, #tpu.memory_space<vmem>>, %arg9: memref<4x128xi32, #tpu.memory_space<vmem>>, %arg10: memref<4x128xi32, #tpu.memory_space<vmem>>, %arg11: memref<512x64xf32, #tpu.memory_space<vmem>>, %arg12: memref<512x64xf32, #tpu.memory_space<vmem>>, %arg13: memref<512x64xf32, #tpu.memory_space<vmem>>, %arg14: memref<8192xf32, #tpu.memory_space<vmem>>, %arg15: memref<512xf32, #tpu.memory_space<vmem>>, %arg16: memref<!tpu.dma_semaphore, #tpu.memory_space<semaphore_mem>>) attributes {dimension_semantics = [#tpu.dimension_semantics<core_parallel>, #tpu.dimension_semantics<subcore_parallel>], iteration_bounds = array<i64: 2, 16>, scalar_prefetch = 0 : i64, scratch_operands = 9 : i64, tpu.core_type = #tpu.core_type<sc_vector_subcore>, window_params = [{transform_indices = #map}, {transform_indices = #map}, {transform_indices = #map}, {transform_indices = #map1}, {transform_indices = #map1}, {transform_indices = #map}]} {
    %mul3A = arith.constant 2 : i32
    %mul3A_0 = arith.muli %arg1, %mul3A : i32
    %add3A = arith.addi %mul3A_0, %arg0 : i32
    %mul3A_1 = arith.constant 512 : i32
    %mul3A_2 = arith.muli %add3A, %mul3A_1 : i32
    %add3A_3 = arith.constant 0 : i32
    %add3A_4 = arith.addi %mul3A_2, %add3A_3 : i32
    %run_scoped3A = arith.constant 0 : i32
    "tpu.region"() ({
      %run_scoped3A_269 = tpu.sem_alloc : memref<!tpu.dma_semaphore, #tpu.memory_space<semaphore_mem>>
      %dma_start3A_270 = arith.constant 0 : i32
      %dma_start3A_271 = tpu.memref_slice %arg8[%run_scoped3A, %dma_start3A_270] : memref<4x128xi32, #tpu.memory_space<vmem>> -> memref<1x128xi32, #tpu.memory_space<vmem>>
      %dma_start3A_272 = tpu.memref_squeeze %dma_start3A_271 : memref<1x128xi32, #tpu.memory_space<vmem>> -> memref<128xi32, #tpu.memory_space<vmem>>
      %dma_start3A_273 = tpu.memref_slice %arg2[%add3A_4] : memref<16384xi32, #tpu.memory_space<hbm>> -> memref<128xi32, #tpu.memory_space<hbm>>
      %dma_start3A_274 = arith.constant 0 : i32
      %dma_start3A_275 = tpu.memref_slice %arg8[%run_scoped3A, %dma_start3A_274] : memref<4x128xi32, #tpu.memory_space<vmem>> -> memref<1x128xi32, #tpu.memory_space<vmem>>
      %dma_start3A_276 = tpu.memref_squeeze %dma_start3A_275 : memref<1x128xi32, #tpu.memory_space<vmem>> -> memref<128xi32, #tpu.memory_space<vmem>>
      %dma_start3A_277 = tpu.memref_slice %arg2[%add3A_4] : memref<16384xi32, #tpu.memory_space<hbm>> -> memref<128xi32, #tpu.memory_space<hbm>>
      tpu.enqueue_dma source(%dma_start3A_277 : memref<128xi32, #tpu.memory_space<hbm>>) target(%dma_start3A_276 : memref<128xi32, #tpu.memory_space<vmem>>) target_semaphore(%run_scoped3A_269 : memref<!tpu.dma_semaphore, #tpu.memory_space<semaphore_mem>>)
      %dma_wait3A_278 = arith.constant 0 : i32
      %dma_wait3A_279 = tpu.memref_slice %arg8[%run_scoped3A, %dma_wait3A_278] : memref<4x128xi32, #tpu.memory_space<vmem>> -> memref<1x128xi32, #tpu.memory_space<vmem>>
      %dma_wait3A_280 = tpu.memref_squeeze %dma_wait3A_279 : memref<1x128xi32, #tpu.memory_space<vmem>> -> memref<128xi32, #tpu.memory_space<vmem>>
      %dma_wait3A_281 = tpu.memref_slice %arg2[%add3A_4] : memref<16384xi32, #tpu.memory_space<hbm>> -> memref<128xi32, #tpu.memory_space<hbm>>
      %dma_wait3A_282 = arith.constant 0 : i32
      %dma_wait3A_283 = tpu.memref_slice %arg8[%run_scoped3A, %dma_wait3A_282] : memref<4x128xi32, #tpu.memory_space<vmem>> -> memref<1x128xi32, #tpu.memory_space<vmem>>
      %dma_wait3A_284 = tpu.memref_squeeze %dma_wait3A_283 : memref<1x128xi32, #tpu.memory_space<vmem>> -> memref<128xi32, #tpu.memory_space<vmem>>
      %dma_wait3A_285 = tpu.memref_slice %arg2[%add3A_4] : memref<16384xi32, #tpu.memory_space<hbm>> -> memref<128xi32, #tpu.memory_space<hbm>>
      tpu.wait_dma2 semaphore(%run_scoped3A_269 : memref<!tpu.dma_semaphore, #tpu.memory_space<semaphore_mem>>) src(%dma_wait3A_285 : memref<128xi32, #tpu.memory_space<hbm>>) dst(%dma_wait3A_284 : memref<128xi32, #tpu.memory_space<vmem>>)
      tpu.yield
    }) : () -> ()
    %run_scoped3A_5 = arith.constant 0 : i32
    "tpu.region"() ({
      %run_scoped3A_269 = tpu.sem_alloc : memref<!tpu.dma_semaphore, #tpu.memory_space<semaphore_mem>>
      %dma_start3A_270 = arith.constant 0 : i32
      %dma_start3A_271 = tpu.memref_slice %arg9[%run_scoped3A_5, %dma_start3A_270] : memref<4x128xi32, #tpu.memory_space<vmem>> -> memref<1x128xi32, #tpu.memory_space<vmem>>
      %dma_start3A_272 = tpu.memref_squeeze %dma_start3A_271 : memref<1x128xi32, #tpu.memory_space<vmem>> -> memref<128xi32, #tpu.memory_space<vmem>>
      %dma_start3A_273 = tpu.memref_slice %arg3[%add3A_4] : memref<16384xi32, #tpu.memory_space<hbm>> -> memref<128xi32, #tpu.memory_space<hbm>>
      %dma_start3A_274 = arith.constant 0 : i32
      %dma_start3A_275 = tpu.memref_slice %arg9[%run_scoped3A_5, %dma_start3A_274] : memref<4x128xi32, #tpu.memory_space<vmem>> -> memref<1x128xi32, #tpu.memory_space<vmem>>
      %dma_start3A_276 = tpu.memref_squeeze %dma_start3A_275 : memref<1x128xi32, #tpu.memory_space<vmem>> -> memref<128xi32, #tpu.memory_space<vmem>>
      %dma_start3A_277 = tpu.memref_slice %arg3[%add3A_4] : memref<16384xi32, #tpu.memory_space<hbm>> -> memref<128xi32, #tpu.memory_space<hbm>>
      tpu.enqueue_dma source(%dma_start3A_277 : memref<128xi32, #tpu.memory_space<hbm>>) target(%dma_start3A_276 : memref<128xi32, #tpu.memory_space<vmem>>) target_semaphore(%run_scoped3A_269 : memref<!tpu.dma_semaphore, #tpu.memory_space<semaphore_mem>>)
      %dma_wait3A_278 = arith.constant 0 : i32
      %dma_wait3A_279 = tpu.memref_slice %arg9[%run_scoped3A_5, %dma_wait3A_278] : memref<4x128xi32, #tpu.memory_space<vmem>> -> memref<1x128xi32, #tpu.memory_space<vmem>>
      %dma_wait3A_280 = tpu.memref_squeeze %dma_wait3A_279 : memref<1x128xi32, #tpu.memory_space<vmem>> -> memref<128xi32, #tpu.memory_space<vmem>>
      %dma_wait3A_281 = tpu.memref_slice %arg3[%add3A_4] : memref<16384xi32, #tpu.memory_space<hbm>> -> memref<128xi32, #tpu.memory_space<hbm>>
      %dma_wait3A_282 = arith.constant 0 : i32
      %dma_wait3A_283 = tpu.memref_slice %arg9[%run_scoped3A_5, %dma_wait3A_282] : memref<4x128xi32, #tpu.memory_space<vmem>> -> memref<1x128xi32, #tpu.memory_space<vmem>>
      %dma_wait3A_284 = tpu.memref_squeeze %dma_wait3A_283 : memref<1x128xi32, #tpu.memory_space<vmem>> -> memref<128xi32, #tpu.memory_space<vmem>>
      %dma_wait3A_285 = tpu.memref_slice %arg3[%add3A_4] : memref<16384xi32, #tpu.memory_space<hbm>> -> memref<128xi32, #tpu.memory_space<hbm>>
      tpu.wait_dma2 semaphore(%run_scoped3A_269 : memref<!tpu.dma_semaphore, #tpu.memory_space<semaphore_mem>>) src(%dma_wait3A_285 : memref<128xi32, #tpu.memory_space<hbm>>) dst(%dma_wait3A_284 : memref<128xi32, #tpu.memory_space<vmem>>)
      tpu.yield
    }) : () -> ()
    %run_scoped3A_6 = arith.constant 0 : i32
    "tpu.region"() ({
      %run_scoped3A_269 = tpu.sem_alloc : memref<!tpu.dma_semaphore, #tpu.memory_space<semaphore_mem>>
      %dma_start3A_270 = arith.constant 0 : i32
      %dma_start3A_271 = tpu.memref_slice %arg10[%run_scoped3A_6, %dma_start3A_270] : memref<4x128xi32, #tpu.memory_space<vmem>> -> memref<1x128xi32, #tpu.memory_space<vmem>>
      %dma_start3A_272 = tpu.memref_squeeze %dma_start3A_271 : memref<1x128xi32, #tpu.memory_space<vmem>> -> memref<128xi32, #tpu.memory_space<vmem>>
      %dma_start3A_273 = tpu.memref_slice %arg4[%add3A_4] : memref<16384xi32, #tpu.memory_space<hbm>> -> memref<128xi32, #tpu.memory_space<hbm>>
      %dma_start3A_274 = arith.constant 0 : i32
      %dma_start3A_275 = tpu.memref_slice %arg10[%run_scoped3A_6, %dma_start3A_274] : memref<4x128xi32, #tpu.memory_space<vmem>> -> memref<1x128xi32, #tpu.memory_space<vmem>>
      %dma_start3A_276 = tpu.memref_squeeze %dma_start3A_275 : memref<1x128xi32, #tpu.memory_space<vmem>> -> memref<128xi32, #tpu.memory_space<vmem>>
      %dma_start3A_277 = tpu.memref_slice %arg4[%add3A_4] : memref<16384xi32, #tpu.memory_space<hbm>> -> memref<128xi32, #tpu.memory_space<hbm>>
      tpu.enqueue_dma source(%dma_start3A_277 : memref<128xi32, #tpu.memory_space<hbm>>) target(%dma_start3A_276 : memref<128xi32, #tpu.memory_space<vmem>>) target_semaphore(%run_scoped3A_269 : memref<!tpu.dma_semaphore, #tpu.memory_space<semaphore_mem>>)
      %dma_wait3A_278 = arith.constant 0 : i32
      %dma_wait3A_279 = tpu.memref_slice %arg10[%run_scoped3A_6, %dma_wait3A_278] : memref<4x128xi32, #tpu.memory_space<vmem>> -> memref<1x128xi32, #tpu.memory_space<vmem>>
      %dma_wait3A_280 = tpu.memref_squeeze %dma_wait3A_279 : memref<1x128xi32, #tpu.memory_space<vmem>> -> memref<128xi32, #tpu.memory_space<vmem>>
      %dma_wait3A_281 = tpu.memref_slice %arg4[%add3A_4] : memref<16384xi32, #tpu.memory_space<hbm>> -> memref<128xi32, #tpu.memory_space<hbm>>
      %dma_wait3A_282 = arith.constant 0 : i32
      %dma_wait3A_283 = tpu.memref_slice %arg10[%run_scoped3A_6, %dma_wait3A_282] : memref<4x128xi32, #tpu.memory_space<vmem>> -> memref<1x128xi32, #tpu.memory_space<vmem>>
      %dma_wait3A_284 = tpu.memref_squeeze %dma_wait3A_283 : memref<1x128xi32, #tpu.memory_space<vmem>> -> memref<128xi32, #tpu.memory_space<vmem>>
      %dma_wait3A_285 = tpu.memref_slice %arg4[%add3A_4] : memref<16384xi32, #tpu.memory_space<hbm>> -> memref<128xi32, #tpu.memory_space<hbm>>
      tpu.wait_dma2 semaphore(%run_scoped3A_269 : memref<!tpu.dma_semaphore, #tpu.memory_space<semaphore_mem>>) src(%dma_wait3A_285 : memref<128xi32, #tpu.memory_space<hbm>>) dst(%dma_wait3A_284 : memref<128xi32, #tpu.memory_space<vmem>>)
      tpu.yield
    }) : () -> ()
    %add3A_7 = arith.constant 128 : i32
    %add3A_8 = arith.addi %mul3A_2, %add3A_7 : i32
    %run_scoped3A_9 = arith.constant 1 : i32
    "tpu.region"() ({
      %run_scoped3A_269 = tpu.sem_alloc : memref<!tpu.dma_semaphore, #tpu.memory_space<semaphore_mem>>
      %dma_start3A_270 = arith.constant 0 : i32
      %dma_start3A_271 = tpu.memref_slice %arg8[%run_scoped3A_9, %dma_start3A_270] : memref<4x128xi32, #tpu.memory_space<vmem>> -> memref<1x128xi32, #tpu.memory_space<vmem>>
      %dma_start3A_272 = tpu.memref_squeeze %dma_start3A_271 : memref<1x128xi32, #tpu.memory_space<vmem>> -> memref<128xi32, #tpu.memory_space<vmem>>
      %dma_start3A_273 = tpu.memref_slice %arg2[%add3A_8] : memref<16384xi32, #tpu.memory_space<hbm>> -> memref<128xi32, #tpu.memory_space<hbm>>
      %dma_start3A_274 = arith.constant 0 : i32
      %dma_start3A_275 = tpu.memref_slice %arg8[%run_scoped3A_9, %dma_start3A_274] : memref<4x128xi32, #tpu.memory_space<vmem>> -> memref<1x128xi32, #tpu.memory_space<vmem>>
      %dma_start3A_276 = tpu.memref_squeeze %dma_start3A_275 : memref<1x128xi32, #tpu.memory_space<vmem>> -> memref<128xi32, #tpu.memory_space<vmem>>
      %dma_start3A_277 = tpu.memref_slice %arg2[%add3A_8] : memref<16384xi32, #tpu.memory_space<hbm>> -> memref<128xi32, #tpu.memory_space<hbm>>
      tpu.enqueue_dma source(%dma_start3A_277 : memref<128xi32, #tpu.memory_space<hbm>>) target(%dma_start3A_276 : memref<128xi32, #tpu.memory_space<vmem>>) target_semaphore(%run_scoped3A_269 : memref<!tpu.dma_semaphore, #tpu.memory_space<semaphore_mem>>)
      %dma_wait3A_278 = arith.constant 0 : i32
      %dma_wait3A_279 = tpu.memref_slice %arg8[%run_scoped3A_9, %dma_wait3A_278] : memref<4x128xi32, #tpu.memory_space<vmem>> -> memref<1x128xi32, #tpu.memory_space<vmem>>
      %dma_wait3A_280 = tpu.memref_squeeze %dma_wait3A_279 : memref<1x128xi32, #tpu.memory_space<vmem>> -> memref<128xi32, #tpu.memory_space<vmem>>
      %dma_wait3A_281 = tpu.memref_slice %arg2[%add3A_8] : memref<16384xi32, #tpu.memory_space<hbm>> -> memref<128xi32, #tpu.memory_space<hbm>>
      %dma_wait3A_282 = arith.constant 0 : i32
      %dma_wait3A_283 = tpu.memref_slice %arg8[%run_scoped3A_9, %dma_wait3A_282] : memref<4x128xi32, #tpu.memory_space<vmem>> -> memref<1x128xi32, #tpu.memory_space<vmem>>
      %dma_wait3A_284 = tpu.memref_squeeze %dma_wait3A_283 : memref<1x128xi32, #tpu.memory_space<vmem>> -> memref<128xi32, #tpu.memory_space<vmem>>
      %dma_wait3A_285 = tpu.memref_slice %arg2[%add3A_8] : memref<16384xi32, #tpu.memory_space<hbm>> -> memref<128xi32, #tpu.memory_space<hbm>>
      tpu.wait_dma2 semaphore(%run_scoped3A_269 : memref<!tpu.dma_semaphore, #tpu.memory_space<semaphore_mem>>) src(%dma_wait3A_285 : memref<128xi32, #tpu.memory_space<hbm>>) dst(%dma_wait3A_284 : memref<128xi32, #tpu.memory_space<vmem>>)
      tpu.yield
    }) : () -> ()
    %run_scoped3A_10 = arith.constant 1 : i32
    "tpu.region"() ({
      %run_scoped3A_269 = tpu.sem_alloc : memref<!tpu.dma_semaphore, #tpu.memory_space<semaphore_mem>>
      %dma_start3A_270 = arith.constant 0 : i32
      %dma_start3A_271 = tpu.memref_slice %arg9[%run_scoped3A_10, %dma_start3A_270] : memref<4x128xi32, #tpu.memory_space<vmem>> -> memref<1x128xi32, #tpu.memory_space<vmem>>
      %dma_start3A_272 = tpu.memref_squeeze %dma_start3A_271 : memref<1x128xi32, #tpu.memory_space<vmem>> -> memref<128xi32, #tpu.memory_space<vmem>>
      %dma_start3A_273 = tpu.memref_slice %arg3[%add3A_8] : memref<16384xi32, #tpu.memory_space<hbm>> -> memref<128xi32, #tpu.memory_space<hbm>>
      %dma_start3A_274 = arith.constant 0 : i32
      %dma_start3A_275 = tpu.memref_slice %arg9[%run_scoped3A_10, %dma_start3A_274] : memref<4x128xi32, #tpu.memory_space<vmem>> -> memref<1x128xi32, #tpu.memory_space<vmem>>
      %dma_start3A_276 = tpu.memref_squeeze %dma_start3A_275 : memref<1x128xi32, #tpu.memory_space<vmem>> -> memref<128xi32, #tpu.memory_space<vmem>>
      %dma_start3A_277 = tpu.memref_slice %arg3[%add3A_8] : memref<16384xi32, #tpu.memory_space<hbm>> -> memref<128xi32, #tpu.memory_space<hbm>>
      tpu.enqueue_dma source(%dma_start3A_277 : memref<128xi32, #tpu.memory_space<hbm>>) target(%dma_start3A_276 : memref<128xi32, #tpu.memory_space<vmem>>) target_semaphore(%run_scoped3A_269 : memref<!tpu.dma_semaphore, #tpu.memory_space<semaphore_mem>>)
      %dma_wait3A_278 = arith.constant 0 : i32
      %dma_wait3A_279 = tpu.memref_slice %arg9[%run_scoped3A_10, %dma_wait3A_278] : memref<4x128xi32, #tpu.memory_space<vmem>> -> memref<1x128xi32, #tpu.memory_space<vmem>>
      %dma_wait3A_280 = tpu.memref_squeeze %dma_wait3A_279 : memref<1x128xi32, #tpu.memory_space<vmem>> -> memref<128xi32, #tpu.memory_space<vmem>>
      %dma_wait3A_281 = tpu.memref_slice %arg3[%add3A_8] : memref<16384xi32, #tpu.memory_space<hbm>> -> memref<128xi32, #tpu.memory_space<hbm>>
      %dma_wait3A_282 = arith.constant 0 : i32
      %dma_wait3A_283 = tpu.memref_slice %arg9[%run_scoped3A_10, %dma_wait3A_282] : memref<4x128xi32, #tpu.memory_space<vmem>> -> memref<1x128xi32, #tpu.memory_space<vmem>>
      %dma_wait3A_284 = tpu.memref_squeeze %dma_wait3A_283 : memref<1x128xi32, #tpu.memory_space<vmem>> -> memref<128xi32, #tpu.memory_space<vmem>>
      %dma_wait3A_285 = tpu.memref_slice %arg3[%add3A_8] : memref<16384xi32, #tpu.memory_space<hbm>> -> memref<128xi32, #tpu.memory_space<hbm>>
      tpu.wait_dma2 semaphore(%run_scoped3A_269 : memref<!tpu.dma_semaphore, #tpu.memory_space<semaphore_mem>>) src(%dma_wait3A_285 : memref<128xi32, #tpu.memory_space<hbm>>) dst(%dma_wait3A_284 : memref<128xi32, #tpu.memory_space<vmem>>)
      tpu.yield
    }) : () -> ()
    %run_scoped3A_11 = arith.constant 1 : i32
    "tpu.region"() ({
      %run_scoped3A_269 = tpu.sem_alloc : memref<!tpu.dma_semaphore, #tpu.memory_space<semaphore_mem>>
      %dma_start3A_270 = arith.constant 0 : i32
      %dma_start3A_271 = tpu.memref_slice %arg10[%run_scoped3A_11, %dma_start3A_270] : memref<4x128xi32, #tpu.memory_space<vmem>> -> memref<1x128xi32, #tpu.memory_space<vmem>>
      %dma_start3A_272 = tpu.memref_squeeze %dma_start3A_271 : memref<1x128xi32, #tpu.memory_space<vmem>> -> memref<128xi32, #tpu.memory_space<vmem>>
      %dma_start3A_273 = tpu.memref_slice %arg4[%add3A_8] : memref<16384xi32, #tpu.memory_space<hbm>> -> memref<128xi32, #tpu.memory_space<hbm>>
      %dma_start3A_274 = arith.constant 0 : i32
      %dma_start3A_275 = tpu.memref_slice %arg10[%run_scoped3A_11, %dma_start3A_274] : memref<4x128xi32, #tpu.memory_space<vmem>> -> memref<1x128xi32, #tpu.memory_space<vmem>>
      %dma_start3A_276 = tpu.memref_squeeze %dma_start3A_275 : memref<1x128xi32, #tpu.memory_space<vmem>> -> memref<128xi32, #tpu.memory_space<vmem>>
      %dma_start3A_277 = tpu.memref_slice %arg4[%add3A_8] : memref<16384xi32, #tpu.memory_space<hbm>> -> memref<128xi32, #tpu.memory_space<hbm>>
      tpu.enqueue_dma source(%dma_start3A_277 : memref<128xi32, #tpu.memory_space<hbm>>) target(%dma_start3A_276 : memref<128xi32, #tpu.memory_space<vmem>>) target_semaphore(%run_scoped3A_269 : memref<!tpu.dma_semaphore, #tpu.memory_space<semaphore_mem>>)
      %dma_wait3A_278 = arith.constant 0 : i32
      %dma_wait3A_279 = tpu.memref_slice %arg10[%run_scoped3A_11, %dma_wait3A_278] : memref<4x128xi32, #tpu.memory_space<vmem>> -> memref<1x128xi32, #tpu.memory_space<vmem>>
      %dma_wait3A_280 = tpu.memref_squeeze %dma_wait3A_279 : memref<1x128xi32, #tpu.memory_space<vmem>> -> memref<128xi32, #tpu.memory_space<vmem>>
      %dma_wait3A_281 = tpu.memref_slice %arg4[%add3A_8] : memref<16384xi32, #tpu.memory_space<hbm>> -> memref<128xi32, #tpu.memory_space<hbm>>
      %dma_wait3A_282 = arith.constant 0 : i32
      %dma_wait3A_283 = tpu.memref_slice %arg10[%run_scoped3A_11, %dma_wait3A_282] : memref<4x128xi32, #tpu.memory_space<vmem>> -> memref<1x128xi32, #tpu.memory_space<vmem>>
      %dma_wait3A_284 = tpu.memref_squeeze %dma_wait3A_283 : memref<1x128xi32, #tpu.memory_space<vmem>> -> memref<128xi32, #tpu.memory_space<vmem>>
      %dma_wait3A_285 = tpu.memref_slice %arg4[%add3A_8] : memref<16384xi32, #tpu.memory_space<hbm>> -> memref<128xi32, #tpu.memory_space<hbm>>
      tpu.wait_dma2 semaphore(%run_scoped3A_269 : memref<!tpu.dma_semaphore, #tpu.memory_space<semaphore_mem>>) src(%dma_wait3A_285 : memref<128xi32, #tpu.memory_space<hbm>>) dst(%dma_wait3A_284 : memref<128xi32, #tpu.memory_space<vmem>>)
      tpu.yield
    }) : () -> ()
    %add3A_12 = arith.constant 256 : i32
    %add3A_13 = arith.addi %mul3A_2, %add3A_12 : i32
    %run_scoped3A_14 = arith.constant 2 : i32
    "tpu.region"() ({
      %run_scoped3A_269 = tpu.sem_alloc : memref<!tpu.dma_semaphore, #tpu.memory_space<semaphore_mem>>
      %dma_start3A_270 = arith.constant 0 : i32
      %dma_start3A_271 = tpu.memref_slice %arg8[%run_scoped3A_14, %dma_start3A_270] : memref<4x128xi32, #tpu.memory_space<vmem>> -> memref<1x128xi32, #tpu.memory_space<vmem>>
      %dma_start3A_272 = tpu.memref_squeeze %dma_start3A_271 : memref<1x128xi32, #tpu.memory_space<vmem>> -> memref<128xi32, #tpu.memory_space<vmem>>
      %dma_start3A_273 = tpu.memref_slice %arg2[%add3A_13] : memref<16384xi32, #tpu.memory_space<hbm>> -> memref<128xi32, #tpu.memory_space<hbm>>
      %dma_start3A_274 = arith.constant 0 : i32
      %dma_start3A_275 = tpu.memref_slice %arg8[%run_scoped3A_14, %dma_start3A_274] : memref<4x128xi32, #tpu.memory_space<vmem>> -> memref<1x128xi32, #tpu.memory_space<vmem>>
      %dma_start3A_276 = tpu.memref_squeeze %dma_start3A_275 : memref<1x128xi32, #tpu.memory_space<vmem>> -> memref<128xi32, #tpu.memory_space<vmem>>
      %dma_start3A_277 = tpu.memref_slice %arg2[%add3A_13] : memref<16384xi32, #tpu.memory_space<hbm>> -> memref<128xi32, #tpu.memory_space<hbm>>
      tpu.enqueue_dma source(%dma_start3A_277 : memref<128xi32, #tpu.memory_space<hbm>>) target(%dma_start3A_276 : memref<128xi32, #tpu.memory_space<vmem>>) target_semaphore(%run_scoped3A_269 : memref<!tpu.dma_semaphore, #tpu.memory_space<semaphore_mem>>)
      %dma_wait3A_278 = arith.constant 0 : i32
      %dma_wait3A_279 = tpu.memref_slice %arg8[%run_scoped3A_14, %dma_wait3A_278] : memref<4x128xi32, #tpu.memory_space<vmem>> -> memref<1x128xi32, #tpu.memory_space<vmem>>
      %dma_wait3A_280 = tpu.memref_squeeze %dma_wait3A_279 : memref<1x128xi32, #tpu.memory_space<vmem>> -> memref<128xi32, #tpu.memory_space<vmem>>
      %dma_wait3A_281 = tpu.memref_slice %arg2[%add3A_13] : memref<16384xi32, #tpu.memory_space<hbm>> -> memref<128xi32, #tpu.memory_space<hbm>>
      %dma_wait3A_282 = arith.constant 0 : i32
      %dma_wait3A_283 = tpu.memref_slice %arg8[%run_scoped3A_14, %dma_wait3A_282] : memref<4x128xi32, #tpu.memory_space<vmem>> -> memref<1x128xi32, #tpu.memory_space<vmem>>
      %dma_wait3A_284 = tpu.memref_squeeze %dma_wait3A_283 : memref<1x128xi32, #tpu.memory_space<vmem>> -> memref<128xi32, #tpu.memory_space<vmem>>
      %dma_wait3A_285 = tpu.memref_slice %arg2[%add3A_13] : memref<16384xi32, #tpu.memory_space<hbm>> -> memref<128xi32, #tpu.memory_space<hbm>>
      tpu.wait_dma2 semaphore(%run_scoped3A_269 : memref<!tpu.dma_semaphore, #tpu.memory_space<semaphore_mem>>) src(%dma_wait3A_285 : memref<128xi32, #tpu.memory_space<hbm>>) dst(%dma_wait3A_284 : memref<128xi32, #tpu.memory_space<vmem>>)
      tpu.yield
    }) : () -> ()
    %run_scoped3A_15 = arith.constant 2 : i32
    "tpu.region"() ({
      %run_scoped3A_269 = tpu.sem_alloc : memref<!tpu.dma_semaphore, #tpu.memory_space<semaphore_mem>>
      %dma_start3A_270 = arith.constant 0 : i32
      %dma_start3A_271 = tpu.memref_slice %arg9[%run_scoped3A_15, %dma_start3A_270] : memref<4x128xi32, #tpu.memory_space<vmem>> -> memref<1x128xi32, #tpu.memory_space<vmem>>
      %dma_start3A_272 = tpu.memref_squeeze %dma_start3A_271 : memref<1x128xi32, #tpu.memory_space<vmem>> -> memref<128xi32, #tpu.memory_space<vmem>>
      %dma_start3A_273 = tpu.memref_slice %arg3[%add3A_13] : memref<16384xi32, #tpu.memory_space<hbm>> -> memref<128xi32, #tpu.memory_space<hbm>>
      %dma_start3A_274 = arith.constant 0 : i32
      %dma_start3A_275 = tpu.memref_slice %arg9[%run_scoped3A_15, %dma_start3A_274] : memref<4x128xi32, #tpu.memory_space<vmem>> -> memref<1x128xi32, #tpu.memory_space<vmem>>
      %dma_start3A_276 = tpu.memref_squeeze %dma_start3A_275 : memref<1x128xi32, #tpu.memory_space<vmem>> -> memref<128xi32, #tpu.memory_space<vmem>>
      %dma_start3A_277 = tpu.memref_slice %arg3[%add3A_13] : memref<16384xi32, #tpu.memory_space<hbm>> -> memref<128xi32, #tpu.memory_space<hbm>>
      tpu.enqueue_dma source(%dma_start3A_277 : memref<128xi32, #tpu.memory_space<hbm>>) target(%dma_start3A_276 : memref<128xi32, #tpu.memory_space<vmem>>) target_semaphore(%run_scoped3A_269 : memref<!tpu.dma_semaphore, #tpu.memory_space<semaphore_mem>>)
      %dma_wait3A_278 = arith.constant 0 : i32
      %dma_wait3A_279 = tpu.memref_slice %arg9[%run_scoped3A_15, %dma_wait3A_278] : memref<4x128xi32, #tpu.memory_space<vmem>> -> memref<1x128xi32, #tpu.memory_space<vmem>>
      %dma_wait3A_280 = tpu.memref_squeeze %dma_wait3A_279 : memref<1x128xi32, #tpu.memory_space<vmem>> -> memref<128xi32, #tpu.memory_space<vmem>>
      %dma_wait3A_281 = tpu.memref_slice %arg3[%add3A_13] : memref<16384xi32, #tpu.memory_space<hbm>> -> memref<128xi32, #tpu.memory_space<hbm>>
      %dma_wait3A_282 = arith.constant 0 : i32
      %dma_wait3A_283 = tpu.memref_slice %arg9[%run_scoped3A_15, %dma_wait3A_282] : memref<4x128xi32, #tpu.memory_space<vmem>> -> memref<1x128xi32, #tpu.memory_space<vmem>>
      %dma_wait3A_284 = tpu.memref_squeeze %dma_wait3A_283 : memref<1x128xi32, #tpu.memory_space<vmem>> -> memref<128xi32, #tpu.memory_space<vmem>>
      %dma_wait3A_285 = tpu.memref_slice %arg3[%add3A_13] : memref<16384xi32, #tpu.memory_space<hbm>> -> memref<128xi32, #tpu.memory_space<hbm>>
      tpu.wait_dma2 semaphore(%run_scoped3A_269 : memref<!tpu.dma_semaphore, #tpu.memory_space<semaphore_mem>>) src(%dma_wait3A_285 : memref<128xi32, #tpu.memory_space<hbm>>) dst(%dma_wait3A_284 : memref<128xi32, #tpu.memory_space<vmem>>)
      tpu.yield
    }) : () -> ()
    %run_scoped3A_16 = arith.constant 2 : i32
    "tpu.region"() ({
      %run_scoped3A_269 = tpu.sem_alloc : memref<!tpu.dma_semaphore, #tpu.memory_space<semaphore_mem>>
      %dma_start3A_270 = arith.constant 0 : i32
      %dma_start3A_271 = tpu.memref_slice %arg10[%run_scoped3A_16, %dma_start3A_270] : memref<4x128xi32, #tpu.memory_space<vmem>> -> memref<1x128xi32, #tpu.memory_space<vmem>>
      %dma_start3A_272 = tpu.memref_squeeze %dma_start3A_271 : memref<1x128xi32, #tpu.memory_space<vmem>> -> memref<128xi32, #tpu.memory_space<vmem>>
      %dma_start3A_273 = tpu.memref_slice %arg4[%add3A_13] : memref<16384xi32, #tpu.memory_space<hbm>> -> memref<128xi32, #tpu.memory_space<hbm>>
      %dma_start3A_274 = arith.constant 0 : i32
      %dma_start3A_275 = tpu.memref_slice %arg10[%run_scoped3A_16, %dma_start3A_274] : memref<4x128xi32, #tpu.memory_space<vmem>> -> memref<1x128xi32, #tpu.memory_space<vmem>>
      %dma_start3A_276 = tpu.memref_squeeze %dma_start3A_275 : memref<1x128xi32, #tpu.memory_space<vmem>> -> memref<128xi32, #tpu.memory_space<vmem>>
      %dma_start3A_277 = tpu.memref_slice %arg4[%add3A_13] : memref<16384xi32, #tpu.memory_space<hbm>> -> memref<128xi32, #tpu.memory_space<hbm>>
      tpu.enqueue_dma source(%dma_start3A_277 : memref<128xi32, #tpu.memory_space<hbm>>) target(%dma_start3A_276 : memref<128xi32, #tpu.memory_space<vmem>>) target_semaphore(%run_scoped3A_269 : memref<!tpu.dma_semaphore, #tpu.memory_space<semaphore_mem>>)
      %dma_wait3A_278 = arith.constant 0 : i32
      %dma_wait3A_279 = tpu.memref_slice %arg10[%run_scoped3A_16, %dma_wait3A_278] : memref<4x128xi32, #tpu.memory_space<vmem>> -> memref<1x128xi32, #tpu.memory_space<vmem>>
      %dma_wait3A_280 = tpu.memref_squeeze %dma_wait3A_279 : memref<1x128xi32, #tpu.memory_space<vmem>> -> memref<128xi32, #tpu.memory_space<vmem>>
      %dma_wait3A_281 = tpu.memref_slice %arg4[%add3A_13] : memref<16384xi32, #tpu.memory_space<hbm>> -> memref<128xi32, #tpu.memory_space<hbm>>
      %dma_wait3A_282 = arith.constant 0 : i32
      %dma_wait3A_283 = tpu.memref_slice %arg10[%run_scoped3A_16, %dma_wait3A_282] : memref<4x128xi32, #tpu.memory_space<vmem>> -> memref<1x128xi32, #tpu.memory_space<vmem>>
      %dma_wait3A_284 = tpu.memref_squeeze %dma_wait3A_283 : memref<1x128xi32, #tpu.memory_space<vmem>> -> memref<128xi32, #tpu.memory_space<vmem>>
      %dma_wait3A_285 = tpu.memref_slice %arg4[%add3A_13] : memref<16384xi32, #tpu.memory_space<hbm>> -> memref<128xi32, #tpu.memory_space<hbm>>
      tpu.wait_dma2 semaphore(%run_scoped3A_269 : memref<!tpu.dma_semaphore, #tpu.memory_space<semaphore_mem>>) src(%dma_wait3A_285 : memref<128xi32, #tpu.memory_space<hbm>>) dst(%dma_wait3A_284 : memref<128xi32, #tpu.memory_space<vmem>>)
      tpu.yield
    }) : () -> ()
    %add3A_17 = arith.constant 384 : i32
    %add3A_18 = arith.addi %mul3A_2, %add3A_17 : i32
    %run_scoped3A_19 = arith.constant 3 : i32
    "tpu.region"() ({
      %run_scoped3A_269 = tpu.sem_alloc : memref<!tpu.dma_semaphore, #tpu.memory_space<semaphore_mem>>
      %dma_start3A_270 = arith.constant 0 : i32
      %dma_start3A_271 = tpu.memref_slice %arg8[%run_scoped3A_19, %dma_start3A_270] : memref<4x128xi32, #tpu.memory_space<vmem>> -> memref<1x128xi32, #tpu.memory_space<vmem>>
      %dma_start3A_272 = tpu.memref_squeeze %dma_start3A_271 : memref<1x128xi32, #tpu.memory_space<vmem>> -> memref<128xi32, #tpu.memory_space<vmem>>
      %dma_start3A_273 = tpu.memref_slice %arg2[%add3A_18] : memref<16384xi32, #tpu.memory_space<hbm>> -> memref<128xi32, #tpu.memory_space<hbm>>
      %dma_start3A_274 = arith.constant 0 : i32
      %dma_start3A_275 = tpu.memref_slice %arg8[%run_scoped3A_19, %dma_start3A_274] : memref<4x128xi32, #tpu.memory_space<vmem>> -> memref<1x128xi32, #tpu.memory_space<vmem>>
      %dma_start3A_276 = tpu.memref_squeeze %dma_start3A_275 : memref<1x128xi32, #tpu.memory_space<vmem>> -> memref<128xi32, #tpu.memory_space<vmem>>
      %dma_start3A_277 = tpu.memref_slice %arg2[%add3A_18] : memref<16384xi32, #tpu.memory_space<hbm>> -> memref<128xi32, #tpu.memory_space<hbm>>
      tpu.enqueue_dma source(%dma_start3A_277 : memref<128xi32, #tpu.memory_space<hbm>>) target(%dma_start3A_276 : memref<128xi32, #tpu.memory_space<vmem>>) target_semaphore(%run_scoped3A_269 : memref<!tpu.dma_semaphore, #tpu.memory_space<semaphore_mem>>)
      %dma_wait3A_278 = arith.constant 0 : i32
      %dma_wait3A_279 = tpu.memref_slice %arg8[%run_scoped3A_19, %dma_wait3A_278] : memref<4x128xi32, #tpu.memory_space<vmem>> -> memref<1x128xi32, #tpu.memory_space<vmem>>
      %dma_wait3A_280 = tpu.memref_squeeze %dma_wait3A_279 : memref<1x128xi32, #tpu.memory_space<vmem>> -> memref<128xi32, #tpu.memory_space<vmem>>
      %dma_wait3A_281 = tpu.memref_slice %arg2[%add3A_18] : memref<16384xi32, #tpu.memory_space<hbm>> -> memref<128xi32, #tpu.memory_space<hbm>>
      %dma_wait3A_282 = arith.constant 0 : i32
      %dma_wait3A_283 = tpu.memref_slice %arg8[%run_scoped3A_19, %dma_wait3A_282] : memref<4x128xi32, #tpu.memory_space<vmem>> -> memref<1x128xi32, #tpu.memory_space<vmem>>
      %dma_wait3A_284 = tpu.memref_squeeze %dma_wait3A_283 : memref<1x128xi32, #tpu.memory_space<vmem>> -> memref<128xi32, #tpu.memory_space<vmem>>
      %dma_wait3A_285 = tpu.memref_slice %arg2[%add3A_18] : memref<16384xi32, #tpu.memory_space<hbm>> -> memref<128xi32, #tpu.memory_space<hbm>>
      tpu.wait_dma2 semaphore(%run_scoped3A_269 : memref<!tpu.dma_semaphore, #tpu.memory_space<semaphore_mem>>) src(%dma_wait3A_285 : memref<128xi32, #tpu.memory_space<hbm>>) dst(%dma_wait3A_284 : memref<128xi32, #tpu.memory_space<vmem>>)
      tpu.yield
    }) : () -> ()
    %run_scoped3A_20 = arith.constant 3 : i32
    "tpu.region"() ({
      %run_scoped3A_269 = tpu.sem_alloc : memref<!tpu.dma_semaphore, #tpu.memory_space<semaphore_mem>>
      %dma_start3A_270 = arith.constant 0 : i32
      %dma_start3A_271 = tpu.memref_slice %arg9[%run_scoped3A_20, %dma_start3A_270] : memref<4x128xi32, #tpu.memory_space<vmem>> -> memref<1x128xi32, #tpu.memory_space<vmem>>
      %dma_start3A_272 = tpu.memref_squeeze %dma_start3A_271 : memref<1x128xi32, #tpu.memory_space<vmem>> -> memref<128xi32, #tpu.memory_space<vmem>>
      %dma_start3A_273 = tpu.memref_slice %arg3[%add3A_18] : memref<16384xi32, #tpu.memory_space<hbm>> -> memref<128xi32, #tpu.memory_space<hbm>>
      %dma_start3A_274 = arith.constant 0 : i32
      %dma_start3A_275 = tpu.memref_slice %arg9[%run_scoped3A_20, %dma_start3A_274] : memref<4x128xi32, #tpu.memory_space<vmem>> -> memref<1x128xi32, #tpu.memory_space<vmem>>
      %dma_start3A_276 = tpu.memref_squeeze %dma_start3A_275 : memref<1x128xi32, #tpu.memory_space<vmem>> -> memref<128xi32, #tpu.memory_space<vmem>>
      %dma_start3A_277 = tpu.memref_slice %arg3[%add3A_18] : memref<16384xi32, #tpu.memory_space<hbm>> -> memref<128xi32, #tpu.memory_space<hbm>>
      tpu.enqueue_dma source(%dma_start3A_277 : memref<128xi32, #tpu.memory_space<hbm>>) target(%dma_start3A_276 : memref<128xi32, #tpu.memory_space<vmem>>) target_semaphore(%run_scoped3A_269 : memref<!tpu.dma_semaphore, #tpu.memory_space<semaphore_mem>>)
      %dma_wait3A_278 = arith.constant 0 : i32
      %dma_wait3A_279 = tpu.memref_slice %arg9[%run_scoped3A_20, %dma_wait3A_278] : memref<4x128xi32, #tpu.memory_space<vmem>> -> memref<1x128xi32, #tpu.memory_space<vmem>>
      %dma_wait3A_280 = tpu.memref_squeeze %dma_wait3A_279 : memref<1x128xi32, #tpu.memory_space<vmem>> -> memref<128xi32, #tpu.memory_space<vmem>>
      %dma_wait3A_281 = tpu.memref_slice %arg3[%add3A_18] : memref<16384xi32, #tpu.memory_space<hbm>> -> memref<128xi32, #tpu.memory_space<hbm>>
      %dma_wait3A_282 = arith.constant 0 : i32
      %dma_wait3A_283 = tpu.memref_slice %arg9[%run_scoped3A_20, %dma_wait3A_282] : memref<4x128xi32, #tpu.memory_space<vmem>> -> memref<1x128xi32, #tpu.memory_space<vmem>>
      %dma_wait3A_284 = tpu.memref_squeeze %dma_wait3A_283 : memref<1x128xi32, #tpu.memory_space<vmem>> -> memref<128xi32, #tpu.memory_space<vmem>>
      %dma_wait3A_285 = tpu.memref_slice %arg3[%add3A_18] : memref<16384xi32, #tpu.memory_space<hbm>> -> memref<128xi32, #tpu.memory_space<hbm>>
      tpu.wait_dma2 semaphore(%run_scoped3A_269 : memref<!tpu.dma_semaphore, #tpu.memory_space<semaphore_mem>>) src(%dma_wait3A_285 : memref<128xi32, #tpu.memory_space<hbm>>) dst(%dma_wait3A_284 : memref<128xi32, #tpu.memory_space<vmem>>)
      tpu.yield
    }) : () -> ()
    %run_scoped3A_21 = arith.constant 3 : i32
    "tpu.region"() ({
      %run_scoped3A_269 = tpu.sem_alloc : memref<!tpu.dma_semaphore, #tpu.memory_space<semaphore_mem>>
      %dma_start3A_270 = arith.constant 0 : i32
      %dma_start3A_271 = tpu.memref_slice %arg10[%run_scoped3A_21, %dma_start3A_270] : memref<4x128xi32, #tpu.memory_space<vmem>> -> memref<1x128xi32, #tpu.memory_space<vmem>>
      %dma_start3A_272 = tpu.memref_squeeze %dma_start3A_271 : memref<1x128xi32, #tpu.memory_space<vmem>> -> memref<128xi32, #tpu.memory_space<vmem>>
      %dma_start3A_273 = tpu.memref_slice %arg4[%add3A_18] : memref<16384xi32, #tpu.memory_space<hbm>> -> memref<128xi32, #tpu.memory_space<hbm>>
      %dma_start3A_274 = arith.constant 0 : i32
      %dma_start3A_275 = tpu.memref_slice %arg10[%run_scoped3A_21, %dma_start3A_274] : memref<4x128xi32, #tpu.memory_space<vmem>> -> memref<1x128xi32, #tpu.memory_space<vmem>>
      %dma_start3A_276 = tpu.memref_squeeze %dma_start3A_275 : memref<1x128xi32, #tpu.memory_space<vmem>> -> memref<128xi32, #tpu.memory_space<vmem>>
      %dma_start3A_277 = tpu.memref_slice %arg4[%add3A_18] : memref<16384xi32, #tpu.memory_space<hbm>> -> memref<128xi32, #tpu.memory_space<hbm>>
      tpu.enqueue_dma source(%dma_start3A_277 : memref<128xi32, #tpu.memory_space<hbm>>) target(%dma_start3A_276 : memref<128xi32, #tpu.memory_space<vmem>>) target_semaphore(%run_scoped3A_269 : memref<!tpu.dma_semaphore, #tpu.memory_space<semaphore_mem>>)
      %dma_wait3A_278 = arith.constant 0 : i32
      %dma_wait3A_279 = tpu.memref_slice %arg10[%run_scoped3A_21, %dma_wait3A_278] : memref<4x128xi32, #tpu.memory_space<vmem>> -> memref<1x128xi32, #tpu.memory_space<vmem>>
      %dma_wait3A_280 = tpu.memref_squeeze %dma_wait3A_279 : memref<1x128xi32, #tpu.memory_space<vmem>> -> memref<128xi32, #tpu.memory_space<vmem>>
      %dma_wait3A_281 = tpu.memref_slice %arg4[%add3A_18] : memref<16384xi32, #tpu.memory_space<hbm>> -> memref<128xi32, #tpu.memory_space<hbm>>
      %dma_wait3A_282 = arith.constant 0 : i32
      %dma_wait3A_283 = tpu.memref_slice %arg10[%run_scoped3A_21, %dma_wait3A_282] : memref<4x128xi32, #tpu.memory_space<vmem>> -> memref<1x128xi32, #tpu.memory_space<vmem>>
      %dma_wait3A_284 = tpu.memref_squeeze %dma_wait3A_283 : memref<1x128xi32, #tpu.memory_space<vmem>> -> memref<128xi32, #tpu.memory_space<vmem>>
      %dma_wait3A_285 = tpu.memref_slice %arg4[%add3A_18] : memref<16384xi32, #tpu.memory_space<hbm>> -> memref<128xi32, #tpu.memory_space<hbm>>
      tpu.wait_dma2 semaphore(%run_scoped3A_269 : memref<!tpu.dma_semaphore, #tpu.memory_space<semaphore_mem>>) src(%dma_wait3A_285 : memref<128xi32, #tpu.memory_space<hbm>>) dst(%dma_wait3A_284 : memref<128xi32, #tpu.memory_space<vmem>>)
      tpu.yield
    }) : () -> ()
    %dma_start3A = arith.constant 0 : i32
    %dma_start3A_22 = arith.constant 0 : i32
    %dma_start3A_23 = arith.constant 0 : i32
    %dma_start3A_24 = tpu.memref_slice %arg11[%dma_start3A_22, %dma_start3A_23] : memref<512x64xf32, #tpu.memory_space<vmem>> -> memref<128x64xf32, #tpu.memory_space<vmem>>
    %dma_start3A_25 = arith.constant 0 : i32
    %dma_start3A_26 = tpu.memref_slice %arg8[%dma_start3A, %dma_start3A_25] : memref<4x128xi32, #tpu.memory_space<vmem>> -> memref<1x128xi32, #tpu.memory_space<vmem>>
    %dma_start3A_27 = tpu.memref_squeeze %dma_start3A_26 : memref<1x128xi32, #tpu.memory_space<vmem>> -> memref<128xi32, #tpu.memory_space<vmem>>
    %dma_start3A_28 = arith.constant 0 : i32
    %dma_start3A_29 = arith.constant 0 : i32
    %dma_start3A_30 = tpu.memref_slice %arg5[%dma_start3A_28, %dma_start3A_29] : memref<1000000x64xf32, #tpu.memory_space<hbm>> -> memref<1000000x64xf32, #tpu.memory_space<hbm>>
    tpu.enqueue_indirect_dma source(%dma_start3A_30 : memref<1000000x64xf32, #tpu.memory_space<hbm>>) target(%dma_start3A_24 : memref<128x64xf32, #tpu.memory_space<vmem>>) offsets(%dma_start3A_27 : memref<128xi32, #tpu.memory_space<vmem>>) semaphore(%arg16 : memref<!tpu.dma_semaphore, #tpu.memory_space<semaphore_mem>>)
    %dma_start3A_31 = arith.constant 0 : i32
    %dma_start3A_32 = arith.constant 0 : i32
    %dma_start3A_33 = arith.constant 0 : i32
    %dma_start3A_34 = tpu.memref_slice %arg12[%dma_start3A_32, %dma_start3A_33] : memref<512x64xf32, #tpu.memory_space<vmem>> -> memref<128x64xf32, #tpu.memory_space<vmem>>
    %dma_start3A_35 = arith.constant 0 : i32
    %dma_start3A_36 = tpu.memref_slice %arg9[%dma_start3A_31, %dma_start3A_35] : memref<4x128xi32, #tpu.memory_space<vmem>> -> memref<1x128xi32, #tpu.memory_space<vmem>>
    %dma_start3A_37 = tpu.memref_squeeze %dma_start3A_36 : memref<1x128xi32, #tpu.memory_space<vmem>> -> memref<128xi32, #tpu.memory_space<vmem>>
    %dma_start3A_38 = arith.constant 0 : i32
    %dma_start3A_39 = arith.constant 0 : i32
    %dma_start3A_40 = tpu.memref_slice %arg6[%dma_start3A_38, %dma_start3A_39] : memref<1000x64xf32, #tpu.memory_space<hbm>> -> memref<1000x64xf32, #tpu.memory_space<hbm>>
    tpu.enqueue_indirect_dma source(%dma_start3A_40 : memref<1000x64xf32, #tpu.memory_space<hbm>>) target(%dma_start3A_34 : memref<128x64xf32, #tpu.memory_space<vmem>>) offsets(%dma_start3A_37 : memref<128xi32, #tpu.memory_space<vmem>>) semaphore(%arg16 : memref<!tpu.dma_semaphore, #tpu.memory_space<semaphore_mem>>)
    %dma_start3A_41 = arith.constant 0 : i32
    %dma_start3A_42 = arith.constant 0 : i32
    %dma_start3A_43 = arith.constant 0 : i32
    %dma_start3A_44 = tpu.memref_slice %arg13[%dma_start3A_42, %dma_start3A_43] : memref<512x64xf32, #tpu.memory_space<vmem>> -> memref<128x64xf32, #tpu.memory_space<vmem>>
    %dma_start3A_45 = arith.constant 0 : i32
    %dma_start3A_46 = tpu.memref_slice %arg10[%dma_start3A_41, %dma_start3A_45] : memref<4x128xi32, #tpu.memory_space<vmem>> -> memref<1x128xi32, #tpu.memory_space<vmem>>
    %dma_start3A_47 = tpu.memref_squeeze %dma_start3A_46 : memref<1x128xi32, #tpu.memory_space<vmem>> -> memref<128xi32, #tpu.memory_space<vmem>>
    %dma_start3A_48 = arith.constant 0 : i32
    %dma_start3A_49 = arith.constant 0 : i32
    %dma_start3A_50 = tpu.memref_slice %arg5[%dma_start3A_48, %dma_start3A_49] : memref<1000000x64xf32, #tpu.memory_space<hbm>> -> memref<1000000x64xf32, #tpu.memory_space<hbm>>
    tpu.enqueue_indirect_dma source(%dma_start3A_50 : memref<1000000x64xf32, #tpu.memory_space<hbm>>) target(%dma_start3A_44 : memref<128x64xf32, #tpu.memory_space<vmem>>) offsets(%dma_start3A_47 : memref<128xi32, #tpu.memory_space<vmem>>) semaphore(%arg16 : memref<!tpu.dma_semaphore, #tpu.memory_space<semaphore_mem>>)
    %dma_start3A_51 = arith.constant 1 : i32
    %dma_start3A_52 = arith.constant 128 : i32
    %dma_start3A_53 = arith.constant 0 : i32
    %dma_start3A_54 = tpu.memref_slice %arg11[%dma_start3A_52, %dma_start3A_53] : memref<512x64xf32, #tpu.memory_space<vmem>> -> memref<128x64xf32, #tpu.memory_space<vmem>>
    %dma_start3A_55 = arith.constant 0 : i32
    %dma_start3A_56 = tpu.memref_slice %arg8[%dma_start3A_51, %dma_start3A_55] : memref<4x128xi32, #tpu.memory_space<vmem>> -> memref<1x128xi32, #tpu.memory_space<vmem>>
    %dma_start3A_57 = tpu.memref_squeeze %dma_start3A_56 : memref<1x128xi32, #tpu.memory_space<vmem>> -> memref<128xi32, #tpu.memory_space<vmem>>
    %dma_start3A_58 = arith.constant 0 : i32
    %dma_start3A_59 = arith.constant 0 : i32
    %dma_start3A_60 = tpu.memref_slice %arg5[%dma_start3A_58, %dma_start3A_59] : memref<1000000x64xf32, #tpu.memory_space<hbm>> -> memref<1000000x64xf32, #tpu.memory_space<hbm>>
    tpu.enqueue_indirect_dma source(%dma_start3A_60 : memref<1000000x64xf32, #tpu.memory_space<hbm>>) target(%dma_start3A_54 : memref<128x64xf32, #tpu.memory_space<vmem>>) offsets(%dma_start3A_57 : memref<128xi32, #tpu.memory_space<vmem>>) semaphore(%arg16 : memref<!tpu.dma_semaphore, #tpu.memory_space<semaphore_mem>>)
    %dma_start3A_61 = arith.constant 1 : i32
    %dma_start3A_62 = arith.constant 128 : i32
    %dma_start3A_63 = arith.constant 0 : i32
    %dma_start3A_64 = tpu.memref_slice %arg12[%dma_start3A_62, %dma_start3A_63] : memref<512x64xf32, #tpu.memory_space<vmem>> -> memref<128x64xf32, #tpu.memory_space<vmem>>
    %dma_start3A_65 = arith.constant 0 : i32
    %dma_start3A_66 = tpu.memref_slice %arg9[%dma_start3A_61, %dma_start3A_65] : memref<4x128xi32, #tpu.memory_space<vmem>> -> memref<1x128xi32, #tpu.memory_space<vmem>>
    %dma_start3A_67 = tpu.memref_squeeze %dma_start3A_66 : memref<1x128xi32, #tpu.memory_space<vmem>> -> memref<128xi32, #tpu.memory_space<vmem>>
    %dma_start3A_68 = arith.constant 0 : i32
    %dma_start3A_69 = arith.constant 0 : i32
    %dma_start3A_70 = tpu.memref_slice %arg6[%dma_start3A_68, %dma_start3A_69] : memref<1000x64xf32, #tpu.memory_space<hbm>> -> memref<1000x64xf32, #tpu.memory_space<hbm>>
    tpu.enqueue_indirect_dma source(%dma_start3A_70 : memref<1000x64xf32, #tpu.memory_space<hbm>>) target(%dma_start3A_64 : memref<128x64xf32, #tpu.memory_space<vmem>>) offsets(%dma_start3A_67 : memref<128xi32, #tpu.memory_space<vmem>>) semaphore(%arg16 : memref<!tpu.dma_semaphore, #tpu.memory_space<semaphore_mem>>)
    %dma_start3A_71 = arith.constant 1 : i32
    %dma_start3A_72 = arith.constant 128 : i32
    %dma_start3A_73 = arith.constant 0 : i32
    %dma_start3A_74 = tpu.memref_slice %arg13[%dma_start3A_72, %dma_start3A_73] : memref<512x64xf32, #tpu.memory_space<vmem>> -> memref<128x64xf32, #tpu.memory_space<vmem>>
    %dma_start3A_75 = arith.constant 0 : i32
    %dma_start3A_76 = tpu.memref_slice %arg10[%dma_start3A_71, %dma_start3A_75] : memref<4x128xi32, #tpu.memory_space<vmem>> -> memref<1x128xi32, #tpu.memory_space<vmem>>
    %dma_start3A_77 = tpu.memref_squeeze %dma_start3A_76 : memref<1x128xi32, #tpu.memory_space<vmem>> -> memref<128xi32, #tpu.memory_space<vmem>>
    %dma_start3A_78 = arith.constant 0 : i32
    %dma_start3A_79 = arith.constant 0 : i32
    %dma_start3A_80 = tpu.memref_slice %arg5[%dma_start3A_78, %dma_start3A_79] : memref<1000000x64xf32, #tpu.memory_space<hbm>> -> memref<1000000x64xf32, #tpu.memory_space<hbm>>
    tpu.enqueue_indirect_dma source(%dma_start3A_80 : memref<1000000x64xf32, #tpu.memory_space<hbm>>) target(%dma_start3A_74 : memref<128x64xf32, #tpu.memory_space<vmem>>) offsets(%dma_start3A_77 : memref<128xi32, #tpu.memory_space<vmem>>) semaphore(%arg16 : memref<!tpu.dma_semaphore, #tpu.memory_space<semaphore_mem>>)
    %dma_start3A_81 = arith.constant 2 : i32
    %dma_start3A_82 = arith.constant 256 : i32
    %dma_start3A_83 = arith.constant 0 : i32
    %dma_start3A_84 = tpu.memref_slice %arg11[%dma_start3A_82, %dma_start3A_83] : memref<512x64xf32, #tpu.memory_space<vmem>> -> memref<128x64xf32, #tpu.memory_space<vmem>>
    %dma_start3A_85 = arith.constant 0 : i32
    %dma_start3A_86 = tpu.memref_slice %arg8[%dma_start3A_81, %dma_start3A_85] : memref<4x128xi32, #tpu.memory_space<vmem>> -> memref<1x128xi32, #tpu.memory_space<vmem>>
    %dma_start3A_87 = tpu.memref_squeeze %dma_start3A_86 : memref<1x128xi32, #tpu.memory_space<vmem>> -> memref<128xi32, #tpu.memory_space<vmem>>
    %dma_start3A_88 = arith.constant 0 : i32
    %dma_start3A_89 = arith.constant 0 : i32
    %dma_start3A_90 = tpu.memref_slice %arg5[%dma_start3A_88, %dma_start3A_89] : memref<1000000x64xf32, #tpu.memory_space<hbm>> -> memref<1000000x64xf32, #tpu.memory_space<hbm>>
    tpu.enqueue_indirect_dma source(%dma_start3A_90 : memref<1000000x64xf32, #tpu.memory_space<hbm>>) target(%dma_start3A_84 : memref<128x64xf32, #tpu.memory_space<vmem>>) offsets(%dma_start3A_87 : memref<128xi32, #tpu.memory_space<vmem>>) semaphore(%arg16 : memref<!tpu.dma_semaphore, #tpu.memory_space<semaphore_mem>>)
    %dma_start3A_91 = arith.constant 2 : i32
    %dma_start3A_92 = arith.constant 256 : i32
    %dma_start3A_93 = arith.constant 0 : i32
    %dma_start3A_94 = tpu.memref_slice %arg12[%dma_start3A_92, %dma_start3A_93] : memref<512x64xf32, #tpu.memory_space<vmem>> -> memref<128x64xf32, #tpu.memory_space<vmem>>
    %dma_start3A_95 = arith.constant 0 : i32
    %dma_start3A_96 = tpu.memref_slice %arg9[%dma_start3A_91, %dma_start3A_95] : memref<4x128xi32, #tpu.memory_space<vmem>> -> memref<1x128xi32, #tpu.memory_space<vmem>>
    %dma_start3A_97 = tpu.memref_squeeze %dma_start3A_96 : memref<1x128xi32, #tpu.memory_space<vmem>> -> memref<128xi32, #tpu.memory_space<vmem>>
    %dma_start3A_98 = arith.constant 0 : i32
    %dma_start3A_99 = arith.constant 0 : i32
    %dma_start3A_100 = tpu.memref_slice %arg6[%dma_start3A_98, %dma_start3A_99] : memref<1000x64xf32, #tpu.memory_space<hbm>> -> memref<1000x64xf32, #tpu.memory_space<hbm>>
    tpu.enqueue_indirect_dma source(%dma_start3A_100 : memref<1000x64xf32, #tpu.memory_space<hbm>>) target(%dma_start3A_94 : memref<128x64xf32, #tpu.memory_space<vmem>>) offsets(%dma_start3A_97 : memref<128xi32, #tpu.memory_space<vmem>>) semaphore(%arg16 : memref<!tpu.dma_semaphore, #tpu.memory_space<semaphore_mem>>)
    %dma_start3A_101 = arith.constant 2 : i32
    %dma_start3A_102 = arith.constant 256 : i32
    %dma_start3A_103 = arith.constant 0 : i32
    %dma_start3A_104 = tpu.memref_slice %arg13[%dma_start3A_102, %dma_start3A_103] : memref<512x64xf32, #tpu.memory_space<vmem>> -> memref<128x64xf32, #tpu.memory_space<vmem>>
    %dma_start3A_105 = arith.constant 0 : i32
    %dma_start3A_106 = tpu.memref_slice %arg10[%dma_start3A_101, %dma_start3A_105] : memref<4x128xi32, #tpu.memory_space<vmem>> -> memref<1x128xi32, #tpu.memory_space<vmem>>
    %dma_start3A_107 = tpu.memref_squeeze %dma_start3A_106 : memref<1x128xi32, #tpu.memory_space<vmem>> -> memref<128xi32, #tpu.memory_space<vmem>>
    %dma_start3A_108 = arith.constant 0 : i32
    %dma_start3A_109 = arith.constant 0 : i32
    %dma_start3A_110 = tpu.memref_slice %arg5[%dma_start3A_108, %dma_start3A_109] : memref<1000000x64xf32, #tpu.memory_space<hbm>> -> memref<1000000x64xf32, #tpu.memory_space<hbm>>
    tpu.enqueue_indirect_dma source(%dma_start3A_110 : memref<1000000x64xf32, #tpu.memory_space<hbm>>) target(%dma_start3A_104 : memref<128x64xf32, #tpu.memory_space<vmem>>) offsets(%dma_start3A_107 : memref<128xi32, #tpu.memory_space<vmem>>) semaphore(%arg16 : memref<!tpu.dma_semaphore, #tpu.memory_space<semaphore_mem>>)
    %dma_start3A_111 = arith.constant 3 : i32
    %dma_start3A_112 = arith.constant 384 : i32
    %dma_start3A_113 = arith.constant 0 : i32
    %dma_start3A_114 = tpu.memref_slice %arg11[%dma_start3A_112, %dma_start3A_113] : memref<512x64xf32, #tpu.memory_space<vmem>> -> memref<128x64xf32, #tpu.memory_space<vmem>>
    %dma_start3A_115 = arith.constant 0 : i32
    %dma_start3A_116 = tpu.memref_slice %arg8[%dma_start3A_111, %dma_start3A_115] : memref<4x128xi32, #tpu.memory_space<vmem>> -> memref<1x128xi32, #tpu.memory_space<vmem>>
    %dma_start3A_117 = tpu.memref_squeeze %dma_start3A_116 : memref<1x128xi32, #tpu.memory_space<vmem>> -> memref<128xi32, #tpu.memory_space<vmem>>
    %dma_start3A_118 = arith.constant 0 : i32
    %dma_start3A_119 = arith.constant 0 : i32
    %dma_start3A_120 = tpu.memref_slice %arg5[%dma_start3A_118, %dma_start3A_119] : memref<1000000x64xf32, #tpu.memory_space<hbm>> -> memref<1000000x64xf32, #tpu.memory_space<hbm>>
    tpu.enqueue_indirect_dma source(%dma_start3A_120 : memref<1000000x64xf32, #tpu.memory_space<hbm>>) target(%dma_start3A_114 : memref<128x64xf32, #tpu.memory_space<vmem>>) offsets(%dma_start3A_117 : memref<128xi32, #tpu.memory_space<vmem>>) semaphore(%arg16 : memref<!tpu.dma_semaphore, #tpu.memory_space<semaphore_mem>>)
    %dma_start3A_121 = arith.constant 3 : i32
    %dma_start3A_122 = arith.constant 384 : i32
    %dma_start3A_123 = arith.constant 0 : i32
    %dma_start3A_124 = tpu.memref_slice %arg12[%dma_start3A_122, %dma_start3A_123] : memref<512x64xf32, #tpu.memory_space<vmem>> -> memref<128x64xf32, #tpu.memory_space<vmem>>
    %dma_start3A_125 = arith.constant 0 : i32
    %dma_start3A_126 = tpu.memref_slice %arg9[%dma_start3A_121, %dma_start3A_125] : memref<4x128xi32, #tpu.memory_space<vmem>> -> memref<1x128xi32, #tpu.memory_space<vmem>>
    %dma_start3A_127 = tpu.memref_squeeze %dma_start3A_126 : memref<1x128xi32, #tpu.memory_space<vmem>> -> memref<128xi32, #tpu.memory_space<vmem>>
    %dma_start3A_128 = arith.constant 0 : i32
    %dma_start3A_129 = arith.constant 0 : i32
    %dma_start3A_130 = tpu.memref_slice %arg6[%dma_start3A_128, %dma_start3A_129] : memref<1000x64xf32, #tpu.memory_space<hbm>> -> memref<1000x64xf32, #tpu.memory_space<hbm>>
    tpu.enqueue_indirect_dma source(%dma_start3A_130 : memref<1000x64xf32, #tpu.memory_space<hbm>>) target(%dma_start3A_124 : memref<128x64xf32, #tpu.memory_space<vmem>>) offsets(%dma_start3A_127 : memref<128xi32, #tpu.memory_space<vmem>>) semaphore(%arg16 : memref<!tpu.dma_semaphore, #tpu.memory_space<semaphore_mem>>)
    %dma_start3A_131 = arith.constant 3 : i32
    %dma_start3A_132 = arith.constant 384 : i32
    %dma_start3A_133 = arith.constant 0 : i32
    %dma_start3A_134 = tpu.memref_slice %arg13[%dma_start3A_132, %dma_start3A_133] : memref<512x64xf32, #tpu.memory_space<vmem>> -> memref<128x64xf32, #tpu.memory_space<vmem>>
    %dma_start3A_135 = arith.constant 0 : i32
    %dma_start3A_136 = tpu.memref_slice %arg10[%dma_start3A_131, %dma_start3A_135] : memref<4x128xi32, #tpu.memory_space<vmem>> -> memref<1x128xi32, #tpu.memory_space<vmem>>
    %dma_start3A_137 = tpu.memref_squeeze %dma_start3A_136 : memref<1x128xi32, #tpu.memory_space<vmem>> -> memref<128xi32, #tpu.memory_space<vmem>>
    %dma_start3A_138 = arith.constant 0 : i32
    %dma_start3A_139 = arith.constant 0 : i32
    %dma_start3A_140 = tpu.memref_slice %arg5[%dma_start3A_138, %dma_start3A_139] : memref<1000000x64xf32, #tpu.memory_space<hbm>> -> memref<1000000x64xf32, #tpu.memory_space<hbm>>
    tpu.enqueue_indirect_dma source(%dma_start3A_140 : memref<1000000x64xf32, #tpu.memory_space<hbm>>) target(%dma_start3A_134 : memref<128x64xf32, #tpu.memory_space<vmem>>) offsets(%dma_start3A_137 : memref<128xi32, #tpu.memory_space<vmem>>) semaphore(%arg16 : memref<!tpu.dma_semaphore, #tpu.memory_space<semaphore_mem>>)
    %dma_wait3A = arith.constant 0 : i32
    %dma_wait3A_141 = arith.constant 0 : i32
    %dma_wait3A_142 = arith.constant 0 : i32
    %dma_wait3A_143 = tpu.memref_slice %arg11[%dma_wait3A_141, %dma_wait3A_142] : memref<512x64xf32, #tpu.memory_space<vmem>> -> memref<128x64xf32, #tpu.memory_space<vmem>>
    %dma_wait3A_144 = arith.constant 0 : i32
    %dma_wait3A_145 = tpu.memref_slice %arg8[%dma_wait3A, %dma_wait3A_144] : memref<4x128xi32, #tpu.memory_space<vmem>> -> memref<1x128xi32, #tpu.memory_space<vmem>>
    %dma_wait3A_146 = tpu.memref_squeeze %dma_wait3A_145 : memref<1x128xi32, #tpu.memory_space<vmem>> -> memref<128xi32, #tpu.memory_space<vmem>>
    %dma_wait3A_147 = arith.constant 0 : i32
    %dma_wait3A_148 = arith.constant 0 : i32
    %dma_wait3A_149 = tpu.memref_slice %arg5[%dma_wait3A_147, %dma_wait3A_148] : memref<1000000x64xf32, #tpu.memory_space<hbm>> -> memref<1000000x64xf32, #tpu.memory_space<hbm>>
    tpu.wait_indirect_dma semaphore(%arg16 : memref<!tpu.dma_semaphore, #tpu.memory_space<semaphore_mem>>) src(%dma_wait3A_149 : memref<1000000x64xf32, #tpu.memory_space<hbm>>) dst(%dma_wait3A_143 : memref<128x64xf32, #tpu.memory_space<vmem>>)
    %dma_wait3A_150 = arith.constant 0 : i32
    %dma_wait3A_151 = arith.constant 0 : i32
    %dma_wait3A_152 = arith.constant 0 : i32
    %dma_wait3A_153 = tpu.memref_slice %arg12[%dma_wait3A_151, %dma_wait3A_152] : memref<512x64xf32, #tpu.memory_space<vmem>> -> memref<128x64xf32, #tpu.memory_space<vmem>>
    %dma_wait3A_154 = arith.constant 0 : i32
    %dma_wait3A_155 = tpu.memref_slice %arg9[%dma_wait3A_150, %dma_wait3A_154] : memref<4x128xi32, #tpu.memory_space<vmem>> -> memref<1x128xi32, #tpu.memory_space<vmem>>
    %dma_wait3A_156 = tpu.memref_squeeze %dma_wait3A_155 : memref<1x128xi32, #tpu.memory_space<vmem>> -> memref<128xi32, #tpu.memory_space<vmem>>
    %dma_wait3A_157 = arith.constant 0 : i32
    %dma_wait3A_158 = arith.constant 0 : i32
    %dma_wait3A_159 = tpu.memref_slice %arg6[%dma_wait3A_157, %dma_wait3A_158] : memref<1000x64xf32, #tpu.memory_space<hbm>> -> memref<1000x64xf32, #tpu.memory_space<hbm>>
    tpu.wait_indirect_dma semaphore(%arg16 : memref<!tpu.dma_semaphore, #tpu.memory_space<semaphore_mem>>) src(%dma_wait3A_159 : memref<1000x64xf32, #tpu.memory_space<hbm>>) dst(%dma_wait3A_153 : memref<128x64xf32, #tpu.memory_space<vmem>>)
    %dma_wait3A_160 = arith.constant 0 : i32
    %dma_wait3A_161 = arith.constant 0 : i32
    %dma_wait3A_162 = arith.constant 0 : i32
    %dma_wait3A_163 = tpu.memref_slice %arg13[%dma_wait3A_161, %dma_wait3A_162] : memref<512x64xf32, #tpu.memory_space<vmem>> -> memref<128x64xf32, #tpu.memory_space<vmem>>
    %dma_wait3A_164 = arith.constant 0 : i32
    %dma_wait3A_165 = tpu.memref_slice %arg10[%dma_wait3A_160, %dma_wait3A_164] : memref<4x128xi32, #tpu.memory_space<vmem>> -> memref<1x128xi32, #tpu.memory_space<vmem>>
    %dma_wait3A_166 = tpu.memref_squeeze %dma_wait3A_165 : memref<1x128xi32, #tpu.memory_space<vmem>> -> memref<128xi32, #tpu.memory_space<vmem>>
    %dma_wait3A_167 = arith.constant 0 : i32
    %dma_wait3A_168 = arith.constant 0 : i32
    %dma_wait3A_169 = tpu.memref_slice %arg5[%dma_wait3A_167, %dma_wait3A_168] : memref<1000000x64xf32, #tpu.memory_space<hbm>> -> memref<1000000x64xf32, #tpu.memory_space<hbm>>
    tpu.wait_indirect_dma semaphore(%arg16 : memref<!tpu.dma_semaphore, #tpu.memory_space<semaphore_mem>>) src(%dma_wait3A_169 : memref<1000000x64xf32, #tpu.memory_space<hbm>>) dst(%dma_wait3A_163 : memref<128x64xf32, #tpu.memory_space<vmem>>)
    %dma_wait3A_170 = arith.constant 1 : i32
    %dma_wait3A_171 = arith.constant 128 : i32
    %dma_wait3A_172 = arith.constant 0 : i32
    %dma_wait3A_173 = tpu.memref_slice %arg11[%dma_wait3A_171, %dma_wait3A_172] : memref<512x64xf32, #tpu.memory_space<vmem>> -> memref<128x64xf32, #tpu.memory_space<vmem>>
    %dma_wait3A_174 = arith.constant 0 : i32
    %dma_wait3A_175 = tpu.memref_slice %arg8[%dma_wait3A_170, %dma_wait3A_174] : memref<4x128xi32, #tpu.memory_space<vmem>> -> memref<1x128xi32, #tpu.memory_space<vmem>>
    %dma_wait3A_176 = tpu.memref_squeeze %dma_wait3A_175 : memref<1x128xi32, #tpu.memory_space<vmem>> -> memref<128xi32, #tpu.memory_space<vmem>>
    %dma_wait3A_177 = arith.constant 0 : i32
    %dma_wait3A_178 = arith.constant 0 : i32
    %dma_wait3A_179 = tpu.memref_slice %arg5[%dma_wait3A_177, %dma_wait3A_178] : memref<1000000x64xf32, #tpu.memory_space<hbm>> -> memref<1000000x64xf32, #tpu.memory_space<hbm>>
    tpu.wait_indirect_dma semaphore(%arg16 : memref<!tpu.dma_semaphore, #tpu.memory_space<semaphore_mem>>) src(%dma_wait3A_179 : memref<1000000x64xf32, #tpu.memory_space<hbm>>) dst(%dma_wait3A_173 : memref<128x64xf32, #tpu.memory_space<vmem>>)
    %dma_wait3A_180 = arith.constant 1 : i32
    %dma_wait3A_181 = arith.constant 128 : i32
    %dma_wait3A_182 = arith.constant 0 : i32
    %dma_wait3A_183 = tpu.memref_slice %arg12[%dma_wait3A_181, %dma_wait3A_182] : memref<512x64xf32, #tpu.memory_space<vmem>> -> memref<128x64xf32, #tpu.memory_space<vmem>>
    %dma_wait3A_184 = arith.constant 0 : i32
    %dma_wait3A_185 = tpu.memref_slice %arg9[%dma_wait3A_180, %dma_wait3A_184] : memref<4x128xi32, #tpu.memory_space<vmem>> -> memref<1x128xi32, #tpu.memory_space<vmem>>
    %dma_wait3A_186 = tpu.memref_squeeze %dma_wait3A_185 : memref<1x128xi32, #tpu.memory_space<vmem>> -> memref<128xi32, #tpu.memory_space<vmem>>
    %dma_wait3A_187 = arith.constant 0 : i32
    %dma_wait3A_188 = arith.constant 0 : i32
    %dma_wait3A_189 = tpu.memref_slice %arg6[%dma_wait3A_187, %dma_wait3A_188] : memref<1000x64xf32, #tpu.memory_space<hbm>> -> memref<1000x64xf32, #tpu.memory_space<hbm>>
    tpu.wait_indirect_dma semaphore(%arg16 : memref<!tpu.dma_semaphore, #tpu.memory_space<semaphore_mem>>) src(%dma_wait3A_189 : memref<1000x64xf32, #tpu.memory_space<hbm>>) dst(%dma_wait3A_183 : memref<128x64xf32, #tpu.memory_space<vmem>>)
    %dma_wait3A_190 = arith.constant 1 : i32
    %dma_wait3A_191 = arith.constant 128 : i32
    %dma_wait3A_192 = arith.constant 0 : i32
    %dma_wait3A_193 = tpu.memref_slice %arg13[%dma_wait3A_191, %dma_wait3A_192] : memref<512x64xf32, #tpu.memory_space<vmem>> -> memref<128x64xf32, #tpu.memory_space<vmem>>
    %dma_wait3A_194 = arith.constant 0 : i32
    %dma_wait3A_195 = tpu.memref_slice %arg10[%dma_wait3A_190, %dma_wait3A_194] : memref<4x128xi32, #tpu.memory_space<vmem>> -> memref<1x128xi32, #tpu.memory_space<vmem>>
    %dma_wait3A_196 = tpu.memref_squeeze %dma_wait3A_195 : memref<1x128xi32, #tpu.memory_space<vmem>> -> memref<128xi32, #tpu.memory_space<vmem>>
    %dma_wait3A_197 = arith.constant 0 : i32
    %dma_wait3A_198 = arith.constant 0 : i32
    %dma_wait3A_199 = tpu.memref_slice %arg5[%dma_wait3A_197, %dma_wait3A_198] : memref<1000000x64xf32, #tpu.memory_space<hbm>> -> memref<1000000x64xf32, #tpu.memory_space<hbm>>
    tpu.wait_indirect_dma semaphore(%arg16 : memref<!tpu.dma_semaphore, #tpu.memory_space<semaphore_mem>>) src(%dma_wait3A_199 : memref<1000000x64xf32, #tpu.memory_space<hbm>>) dst(%dma_wait3A_193 : memref<128x64xf32, #tpu.memory_space<vmem>>)
    %dma_wait3A_200 = arith.constant 2 : i32
    %dma_wait3A_201 = arith.constant 256 : i32
    %dma_wait3A_202 = arith.constant 0 : i32
    %dma_wait3A_203 = tpu.memref_slice %arg11[%dma_wait3A_201, %dma_wait3A_202] : memref<512x64xf32, #tpu.memory_space<vmem>> -> memref<128x64xf32, #tpu.memory_space<vmem>>
    %dma_wait3A_204 = arith.constant 0 : i32
    %dma_wait3A_205 = tpu.memref_slice %arg8[%dma_wait3A_200, %dma_wait3A_204] : memref<4x128xi32, #tpu.memory_space<vmem>> -> memref<1x128xi32, #tpu.memory_space<vmem>>
    %dma_wait3A_206 = tpu.memref_squeeze %dma_wait3A_205 : memref<1x128xi32, #tpu.memory_space<vmem>> -> memref<128xi32, #tpu.memory_space<vmem>>
    %dma_wait3A_207 = arith.constant 0 : i32
    %dma_wait3A_208 = arith.constant 0 : i32
    %dma_wait3A_209 = tpu.memref_slice %arg5[%dma_wait3A_207, %dma_wait3A_208] : memref<1000000x64xf32, #tpu.memory_space<hbm>> -> memref<1000000x64xf32, #tpu.memory_space<hbm>>
    tpu.wait_indirect_dma semaphore(%arg16 : memref<!tpu.dma_semaphore, #tpu.memory_space<semaphore_mem>>) src(%dma_wait3A_209 : memref<1000000x64xf32, #tpu.memory_space<hbm>>) dst(%dma_wait3A_203 : memref<128x64xf32, #tpu.memory_space<vmem>>)
    %dma_wait3A_210 = arith.constant 2 : i32
    %dma_wait3A_211 = arith.constant 256 : i32
    %dma_wait3A_212 = arith.constant 0 : i32
    %dma_wait3A_213 = tpu.memref_slice %arg12[%dma_wait3A_211, %dma_wait3A_212] : memref<512x64xf32, #tpu.memory_space<vmem>> -> memref<128x64xf32, #tpu.memory_space<vmem>>
    %dma_wait3A_214 = arith.constant 0 : i32
    %dma_wait3A_215 = tpu.memref_slice %arg9[%dma_wait3A_210, %dma_wait3A_214] : memref<4x128xi32, #tpu.memory_space<vmem>> -> memref<1x128xi32, #tpu.memory_space<vmem>>
    %dma_wait3A_216 = tpu.memref_squeeze %dma_wait3A_215 : memref<1x128xi32, #tpu.memory_space<vmem>> -> memref<128xi32, #tpu.memory_space<vmem>>
    %dma_wait3A_217 = arith.constant 0 : i32
    %dma_wait3A_218 = arith.constant 0 : i32
    %dma_wait3A_219 = tpu.memref_slice %arg6[%dma_wait3A_217, %dma_wait3A_218] : memref<1000x64xf32, #tpu.memory_space<hbm>> -> memref<1000x64xf32, #tpu.memory_space<hbm>>
    tpu.wait_indirect_dma semaphore(%arg16 : memref<!tpu.dma_semaphore, #tpu.memory_space<semaphore_mem>>) src(%dma_wait3A_219 : memref<1000x64xf32, #tpu.memory_space<hbm>>) dst(%dma_wait3A_213 : memref<128x64xf32, #tpu.memory_space<vmem>>)
    %dma_wait3A_220 = arith.constant 2 : i32
    %dma_wait3A_221 = arith.constant 256 : i32
    %dma_wait3A_222 = arith.constant 0 : i32
    %dma_wait3A_223 = tpu.memref_slice %arg13[%dma_wait3A_221, %dma_wait3A_222] : memref<512x64xf32, #tpu.memory_space<vmem>> -> memref<128x64xf32, #tpu.memory_space<vmem>>
    %dma_wait3A_224 = arith.constant 0 : i32
    %dma_wait3A_225 = tpu.memref_slice %arg10[%dma_wait3A_220, %dma_wait3A_224] : memref<4x128xi32, #tpu.memory_space<vmem>> -> memref<1x128xi32, #tpu.memory_space<vmem>>
    %dma_wait3A_226 = tpu.memref_squeeze %dma_wait3A_225 : memref<1x128xi32, #tpu.memory_space<vmem>> -> memref<128xi32, #tpu.memory_space<vmem>>
    %dma_wait3A_227 = arith.constant 0 : i32
    %dma_wait3A_228 = arith.constant 0 : i32
    %dma_wait3A_229 = tpu.memref_slice %arg5[%dma_wait3A_227, %dma_wait3A_228] : memref<1000000x64xf32, #tpu.memory_space<hbm>> -> memref<1000000x64xf32, #tpu.memory_space<hbm>>
    tpu.wait_indirect_dma semaphore(%arg16 : memref<!tpu.dma_semaphore, #tpu.memory_space<semaphore_mem>>) src(%dma_wait3A_229 : memref<1000000x64xf32, #tpu.memory_space<hbm>>) dst(%dma_wait3A_223 : memref<128x64xf32, #tpu.memory_space<vmem>>)
    %dma_wait3A_230 = arith.constant 3 : i32
    %dma_wait3A_231 = arith.constant 384 : i32
    %dma_wait3A_232 = arith.constant 0 : i32
    %dma_wait3A_233 = tpu.memref_slice %arg11[%dma_wait3A_231, %dma_wait3A_232] : memref<512x64xf32, #tpu.memory_space<vmem>> -> memref<128x64xf32, #tpu.memory_space<vmem>>
    %dma_wait3A_234 = arith.constant 0 : i32
    %dma_wait3A_235 = tpu.memref_slice %arg8[%dma_wait3A_230, %dma_wait3A_234] : memref<4x128xi32, #tpu.memory_space<vmem>> -> memref<1x128xi32, #tpu.memory_space<vmem>>
    %dma_wait3A_236 = tpu.memref_squeeze %dma_wait3A_235 : memref<1x128xi32, #tpu.memory_space<vmem>> -> memref<128xi32, #tpu.memory_space<vmem>>
    %dma_wait3A_237 = arith.constant 0 : i32
    %dma_wait3A_238 = arith.constant 0 : i32
    %dma_wait3A_239 = tpu.memref_slice %arg5[%dma_wait3A_237, %dma_wait3A_238] : memref<1000000x64xf32, #tpu.memory_space<hbm>> -> memref<1000000x64xf32, #tpu.memory_space<hbm>>
    tpu.wait_indirect_dma semaphore(%arg16 : memref<!tpu.dma_semaphore, #tpu.memory_space<semaphore_mem>>) src(%dma_wait3A_239 : memref<1000000x64xf32, #tpu.memory_space<hbm>>) dst(%dma_wait3A_233 : memref<128x64xf32, #tpu.memory_space<vmem>>)
    %dma_wait3A_240 = arith.constant 3 : i32
    %dma_wait3A_241 = arith.constant 384 : i32
    %dma_wait3A_242 = arith.constant 0 : i32
    %dma_wait3A_243 = tpu.memref_slice %arg12[%dma_wait3A_241, %dma_wait3A_242] : memref<512x64xf32, #tpu.memory_space<vmem>> -> memref<128x64xf32, #tpu.memory_space<vmem>>
    %dma_wait3A_244 = arith.constant 0 : i32
    %dma_wait3A_245 = tpu.memref_slice %arg9[%dma_wait3A_240, %dma_wait3A_244] : memref<4x128xi32, #tpu.memory_space<vmem>> -> memref<1x128xi32, #tpu.memory_space<vmem>>
    %dma_wait3A_246 = tpu.memref_squeeze %dma_wait3A_245 : memref<1x128xi32, #tpu.memory_space<vmem>> -> memref<128xi32, #tpu.memory_space<vmem>>
    %dma_wait3A_247 = arith.constant 0 : i32
    %dma_wait3A_248 = arith.constant 0 : i32
    %dma_wait3A_249 = tpu.memref_slice %arg6[%dma_wait3A_247, %dma_wait3A_248] : memref<1000x64xf32, #tpu.memory_space<hbm>> -> memref<1000x64xf32, #tpu.memory_space<hbm>>
    tpu.wait_indirect_dma semaphore(%arg16 : memref<!tpu.dma_semaphore, #tpu.memory_space<semaphore_mem>>) src(%dma_wait3A_249 : memref<1000x64xf32, #tpu.memory_space<hbm>>) dst(%dma_wait3A_243 : memref<128x64xf32, #tpu.memory_space<vmem>>)
    %dma_wait3A_250 = arith.constant 3 : i32
    %dma_wait3A_251 = arith.constant 384 : i32
    %dma_wait3A_252 = arith.constant 0 : i32
    %dma_wait3A_253 = tpu.memref_slice %arg13[%dma_wait3A_251, %dma_wait3A_252] : memref<512x64xf32, #tpu.memory_space<vmem>> -> memref<128x64xf32, #tpu.memory_space<vmem>>
    %dma_wait3A_254 = arith.constant 0 : i32
    %dma_wait3A_255 = tpu.memref_slice %arg10[%dma_wait3A_250, %dma_wait3A_254] : memref<4x128xi32, #tpu.memory_space<vmem>> -> memref<1x128xi32, #tpu.memory_space<vmem>>
    %dma_wait3A_256 = tpu.memref_squeeze %dma_wait3A_255 : memref<1x128xi32, #tpu.memory_space<vmem>> -> memref<128xi32, #tpu.memory_space<vmem>>
    %dma_wait3A_257 = arith.constant 0 : i32
    %dma_wait3A_258 = arith.constant 0 : i32
    %dma_wait3A_259 = tpu.memref_slice %arg5[%dma_wait3A_257, %dma_wait3A_258] : memref<1000000x64xf32, #tpu.memory_space<hbm>> -> memref<1000000x64xf32, #tpu.memory_space<hbm>>
    tpu.wait_indirect_dma semaphore(%arg16 : memref<!tpu.dma_semaphore, #tpu.memory_space<semaphore_mem>>) src(%dma_wait3A_259 : memref<1000000x64xf32, #tpu.memory_space<hbm>>) dst(%dma_wait3A_253 : memref<128x64xf32, #tpu.memory_space<vmem>>)
    %scan3A = arith.constant 0 : i32
    %scan3A_260 = arith.constant 512 : i32
    %scan3A_261 = arith.addi %scan3A, %scan3A_260 : i32
    %scan3A_262 = arith.constant 1 : i32
    scf.for %scan3A_269 = %scan3A to %scan3A_261 step %scan3A_262  : i32 {
      %mul3A_270 = arith.constant 1 : i32
      %mul3A_271 = arith.muli %scan3A_269, %mul3A_270 : i32
      %add3A_272 = arith.constant 0 : i32
      %add3A_273 = arith.addi %add3A_272, %mul3A_271 : i32
      %get3A = arith.index_cast %add3A_273 : i32 to index
      %get3A_274 = arith.constant 0 : index
      %get3A_275 = tpu.vector_load %arg11[%get3A, %get3A_274] {strides = array<i32>} : memref<512x64xf32, #tpu.memory_space<vmem>>, vector<16xf32>,
      %get3A_276 = arith.index_cast %add3A_273 : i32 to index
      %get3A_277 = arith.constant 0 : index
      %get3A_278 = tpu.vector_load %arg12[%get3A_276, %get3A_277] {strides = array<i32>} : memref<512x64xf32, #tpu.memory_space<vmem>>, vector<16xf32>,
      %mul3A_279 = arith.mulf %get3A_275, %get3A_278 : vector<16xf32>
      %get3A_280 = arith.index_cast %add3A_273 : i32 to index
      %get3A_281 = arith.constant 0 : index
      %get3A_282 = tpu.vector_load %arg13[%get3A_280, %get3A_281] {strides = array<i32>} : memref<512x64xf32, #tpu.memory_space<vmem>>, vector<16xf32>,
      %mul3A_283 = arith.mulf %mul3A_279, %get3A_282 : vector<16xf32>
      %get3A_284 = arith.index_cast %add3A_273 : i32 to index
      %get3A_285 = arith.constant 16 : index
      %get3A_286 = tpu.vector_load %arg11[%get3A_284, %get3A_285] {strides = array<i32>} : memref<512x64xf32, #tpu.memory_space<vmem>>, vector<16xf32>,
      %get3A_287 = arith.index_cast %add3A_273 : i32 to index
      %get3A_288 = arith.constant 16 : index
      %get3A_289 = tpu.vector_load %arg12[%get3A_287, %get3A_288] {strides = array<i32>} : memref<512x64xf32, #tpu.memory_space<vmem>>, vector<16xf32>,
      %mul3A_290 = arith.mulf %get3A_286, %get3A_289 : vector<16xf32>
      %get3A_291 = arith.index_cast %add3A_273 : i32 to index
      %get3A_292 = arith.constant 16 : index
      %get3A_293 = tpu.vector_load %arg13[%get3A_291, %get3A_292] {strides = array<i32>} : memref<512x64xf32, #tpu.memory_space<vmem>>, vector<16xf32>,
      %mul3A_294 = arith.mulf %mul3A_290, %get3A_293 : vector<16xf32>
      %add3A_295 = arith.addf %mul3A_283, %mul3A_294 : vector<16xf32>
      %get3A_296 = arith.index_cast %add3A_273 : i32 to index
      %get3A_297 = arith.constant 32 : index
      %get3A_298 = tpu.vector_load %arg11[%get3A_296, %get3A_297] {strides = array<i32>} : memref<512x64xf32, #tpu.memory_space<vmem>>, vector<16xf32>,
      %get3A_299 = arith.index_cast %add3A_273 : i32 to index
      %get3A_300 = arith.constant 32 : index
      %get3A_301 = tpu.vector_load %arg12[%get3A_299, %get3A_300] {strides = array<i32>} : memref<512x64xf32, #tpu.memory_space<vmem>>, vector<16xf32>,
      %mul3A_302 = arith.mulf %get3A_298, %get3A_301 : vector<16xf32>
      %get3A_303 = arith.index_cast %add3A_273 : i32 to index
      %get3A_304 = arith.constant 32 : index
      %get3A_305 = tpu.vector_load %arg13[%get3A_303, %get3A_304] {strides = array<i32>} : memref<512x64xf32, #tpu.memory_space<vmem>>, vector<16xf32>,
      %mul3A_306 = arith.mulf %mul3A_302, %get3A_305 : vector<16xf32>
      %add3A_307 = arith.addf %add3A_295, %mul3A_306 : vector<16xf32>
      %get3A_308 = arith.index_cast %add3A_273 : i32 to index
      %get3A_309 = arith.constant 48 : index
      %get3A_310 = tpu.vector_load %arg11[%get3A_308, %get3A_309] {strides = array<i32>} : memref<512x64xf32, #tpu.memory_space<vmem>>, vector<16xf32>,
      %get3A_311 = arith.index_cast %add3A_273 : i32 to index
      %get3A_312 = arith.constant 48 : index
      %get3A_313 = tpu.vector_load %arg12[%get3A_311, %get3A_312] {strides = array<i32>} : memref<512x64xf32, #tpu.memory_space<vmem>>, vector<16xf32>,
      %mul3A_314 = arith.mulf %get3A_310, %get3A_313 : vector<16xf32>
      %get3A_315 = arith.index_cast %add3A_273 : i32 to index
      %get3A_316 = arith.constant 48 : index
      %get3A_317 = tpu.vector_load %arg13[%get3A_315, %get3A_316] {strides = array<i32>} : memref<512x64xf32, #tpu.memory_space<vmem>>, vector<16xf32>,
      %mul3A_318 = arith.mulf %mul3A_314, %get3A_317 : vector<16xf32>
      %add3A_319 = arith.addf %add3A_307, %mul3A_318 : vector<16xf32>
      %mul3A_320 = arith.constant 16 : i32
      %mul3A_321 = arith.muli %add3A_273, %mul3A_320 : i32
      %swap3A = arith.index_cast %mul3A_321 : i32 to index
      %swap3A_322 = tpu.vector_load %arg14[%swap3A] {strides = array<i32>} : memref<8192xf32, #tpu.memory_space<vmem>>, vector<16xf32>,
      tpu.vector_store %arg14[%swap3A], %add3A_319 {strides = array<i32>} : memref<8192xf32, #tpu.memory_space<vmem>>, vector<16xf32>,
    }
    %scan3A_263 = arith.constant 512 : i32
    %iota3A = tpu.iota {dimensions = array<i32: 0>} : vector<16xi32>
    %scan3A_264 = arith.constant 0 : i32
    %scan3A_265 = arith.constant 32 : i32
    %scan3A_266 = arith.addi %scan3A_264, %scan3A_265 : i32
    %scan3A_267 = arith.constant 1 : i32
    scf.for %scan3A_269 = %scan3A_264 to %scan3A_266 step %scan3A_267  : i32 {
      %mul3A_270 = arith.constant 1 : i32
      %mul3A_271 = arith.muli %scan3A_269, %mul3A_270 : i32
      %add3A_272 = arith.constant 0 : i32
      %add3A_273 = arith.addi %add3A_272, %mul3A_271 : i32
      %mul3A_274 = arith.constant 256 : i32
      %mul3A_275 = arith.muli %add3A_273, %mul3A_274 : i32
      %mul3A_276 = arith.constant 16 : i32
      %mul3A_277 = vector.broadcast %mul3A_276 : i32 to vector<16xi32>
      %mul3A_278 = arith.muli %iota3A, %mul3A_277 : vector<16xi32>
      %add3A_279 = vector.broadcast %mul3A_275 : i32 to vector<16xi32>
      %add3A_280 = arith.addi %add3A_279, %mul3A_278 : vector<16xi32>
      %gather3A = tpu.vector_load_idx %arg14[%add3A_280] : memref<8192xf32, #tpu.memory_space<vmem>>[vector<16xi32>], vector<16xf32>,
      %add3A_281 = arith.constant 1 : i32
      %add3A_282 = vector.broadcast %add3A_281 : i32 to vector<16xi32>
      %add3A_283 = arith.addi %add3A_280, %add3A_282 : vector<16xi32>
      %gather3A_284 = tpu.vector_load_idx %arg14[%add3A_283] : memref<8192xf32, #tpu.memory_space<vmem>>[vector<16xi32>], vector<16xf32>,
      %add3A_285 = arith.addf %gather3A, %gather3A_284 : vector<16xf32>
      %add3A_286 = arith.constant 2 : i32
      %add3A_287 = vector.broadcast %add3A_286 : i32 to vector<16xi32>
      %add3A_288 = arith.addi %add3A_280, %add3A_287 : vector<16xi32>
      %gather3A_289 = tpu.vector_load_idx %arg14[%add3A_288] : memref<8192xf32, #tpu.memory_space<vmem>>[vector<16xi32>], vector<16xf32>,
      %add3A_290 = arith.addf %add3A_285, %gather3A_289 : vector<16xf32>
      %add3A_291 = arith.constant 3 : i32
      %add3A_292 = vector.broadcast %add3A_291 : i32 to vector<16xi32>
      %add3A_293 = arith.addi %add3A_280, %add3A_292 : vector<16xi32>
      %gather3A_294 = tpu.vector_load_idx %arg14[%add3A_293] : memref<8192xf32, #tpu.memory_space<vmem>>[vector<16xi32>], vector<16xf32>,
      %add3A_295 = arith.addf %add3A_290, %gather3A_294 : vector<16xf32>
      %add3A_296 = arith.constant 4 : i32
      %add3A_297 = vector.broadcast %add3A_296 : i32 to vector<16xi32>
      %add3A_298 = arith.addi %add3A_280, %add3A_297 : vector<16xi32>
      %gather3A_299 = tpu.vector_load_idx %arg14[%add3A_298] : memref<8192xf32, #tpu.memory_space<vmem>>[vector<16xi32>], vector<16xf32>,
      %add3A_300 = arith.addf %add3A_295, %gather3A_299 : vector<16xf32>
      %add3A_301 = arith.constant 5 : i32
      %add3A_302 = vector.broadcast %add3A_301 : i32 to vector<16xi32>
      %add3A_303 = arith.addi %add3A_280, %add3A_302 : vector<16xi32>
      %gather3A_304 = tpu.vector_load_idx %arg14[%add3A_303] : memref<8192xf32, #tpu.memory_space<vmem>>[vector<16xi32>], vector<16xf32>,
      %add3A_305 = arith.addf %add3A_300, %gather3A_304 : vector<16xf32>
      %add3A_306 = arith.constant 6 : i32
      %add3A_307 = vector.broadcast %add3A_306 : i32 to vector<16xi32>
      %add3A_308 = arith.addi %add3A_280, %add3A_307 : vector<16xi32>
      %gather3A_309 = tpu.vector_load_idx %arg14[%add3A_308] : memref<8192xf32, #tpu.memory_space<vmem>>[vector<16xi32>], vector<16xf32>,
      %add3A_310 = arith.addf %add3A_305, %gather3A_309 : vector<16xf32>
      %add3A_311 = arith.constant 7 : i32
      %add3A_312 = vector.broadcast %add3A_311 : i32 to vector<16xi32>
      %add3A_313 = arith.addi %add3A_280, %add3A_312 : vector<16xi32>
      %gather3A_314 = tpu.vector_load_idx %arg14[%add3A_313] : memref<8192xf32, #tpu.memory_space<vmem>>[vector<16xi32>], vector<16xf32>,
      %add3A_315 = arith.addf %add3A_310, %gather3A_314 : vector<16xf32>
      %add3A_316 = arith.constant 8 : i32
      %add3A_317 = vector.broadcast %add3A_316 : i32 to vector<16xi32>
      %add3A_318 = arith.addi %add3A_280, %add3A_317 : vector<16xi32>
      %gather3A_319 = tpu.vector_load_idx %arg14[%add3A_318] : memref<8192xf32, #tpu.memory_space<vmem>>[vector<16xi32>], vector<16xf32>,
      %add3A_320 = arith.addf %add3A_315, %gather3A_319 : vector<16xf32>
      %add3A_321 = arith.constant 9 : i32
      %add3A_322 = vector.broadcast %add3A_321 : i32 to vector<16xi32>
      %add3A_323 = arith.addi %add3A_280, %add3A_322 : vector<16xi32>
      %gather3A_324 = tpu.vector_load_idx %arg14[%add3A_323] : memref<8192xf32, #tpu.memory_space<vmem>>[vector<16xi32>], vector<16xf32>,
      %add3A_325 = arith.addf %add3A_320, %gather3A_324 : vector<16xf32>
      %add3A_326 = arith.constant 10 : i32
      %add3A_327 = vector.broadcast %add3A_326 : i32 to vector<16xi32>
      %add3A_328 = arith.addi %add3A_280, %add3A_327 : vector<16xi32>
      %gather3A_329 = tpu.vector_load_idx %arg14[%add3A_328] : memref<8192xf32, #tpu.memory_space<vmem>>[vector<16xi32>], vector<16xf32>,
      %add3A_330 = arith.addf %add3A_325, %gather3A_329 : vector<16xf32>
      %add3A_331 = arith.constant 11 : i32
      %add3A_332 = vector.broadcast %add3A_331 : i32 to vector<16xi32>
      %add3A_333 = arith.addi %add3A_280, %add3A_332 : vector<16xi32>
      %gather3A_334 = tpu.vector_load_idx %arg14[%add3A_333] : memref<8192xf32, #tpu.memory_space<vmem>>[vector<16xi32>], vector<16xf32>,
      %add3A_335 = arith.addf %add3A_330, %gather3A_334 : vector<16xf32>
      %add3A_336 = arith.constant 12 : i32
      %add3A_337 = vector.broadcast %add3A_336 : i32 to vector<16xi32>
      %add3A_338 = arith.addi %add3A_280, %add3A_337 : vector<16xi32>
      %gather3A_339 = tpu.vector_load_idx %arg14[%add3A_338] : memref<8192xf32, #tpu.memory_space<vmem>>[vector<16xi32>], vector<16xf32>,
      %add3A_340 = arith.addf %add3A_335, %gather3A_339 : vector<16xf32>
      %add3A_341 = arith.constant 13 : i32
      %add3A_342 = vector.broadcast %add3A_341 : i32 to vector<16xi32>
      %add3A_343 = arith.addi %add3A_280, %add3A_342 : vector<16xi32>
      %gather3A_344 = tpu.vector_load_idx %arg14[%add3A_343] : memref<8192xf32, #tpu.memory_space<vmem>>[vector<16xi32>], vector<16xf32>,
      %add3A_345 = arith.addf %add3A_340, %gather3A_344 : vector<16xf32>
      %add3A_346 = arith.constant 14 : i32
      %add3A_347 = vector.broadcast %add3A_346 : i32 to vector<16xi32>
      %add3A_348 = arith.addi %add3A_280, %add3A_347 : vector<16xi32>
      %gather3A_349 = tpu.vector_load_idx %arg14[%add3A_348] : memref<8192xf32, #tpu.memory_space<vmem>>[vector<16xi32>], vector<16xf32>,
      %add3A_350 = arith.addf %add3A_345, %gather3A_349 : vector<16xf32>
      %add3A_351 = arith.constant 15 : i32
      %add3A_352 = vector.broadcast %add3A_351 : i32 to vector<16xi32>
      %add3A_353 = arith.addi %add3A_280, %add3A_352 : vector<16xi32>
      %gather3A_354 = tpu.vector_load_idx %arg14[%add3A_353] : memref<8192xf32, #tpu.memory_space<vmem>>[vector<16xi32>], vector<16xf32>,
      %add3A_355 = arith.addf %add3A_350, %gather3A_354 : vector<16xf32>
      %mul3A_356 = arith.constant 16 : i32
      %mul3A_357 = arith.muli %add3A_273, %mul3A_356 : i32
      %swap3A = arith.index_cast %mul3A_357 : i32 to index
      %swap3A_358 = tpu.vector_load %arg15[%swap3A] {strides = array<i32>} : memref<512xf32, #tpu.memory_space<vmem>>, vector<16xf32>,
      tpu.vector_store %arg15[%swap3A], %add3A_355 {strides = array<i32>} : memref<512xf32, #tpu.memory_space<vmem>>, vector<16xf32>,
    }
    %scan3A_268 = arith.constant 32 : i32
    "tpu.region"() ({
      %run_scoped3A_269 = tpu.sem_alloc : memref<!tpu.dma_semaphore, #tpu.memory_space<semaphore_mem>>
      %dma_start3A_270 = tpu.memref_slice %arg7[%mul3A_2] : memref<16384xf32, #tpu.memory_space<hbm>> -> memref<512xf32, #tpu.memory_space<hbm>>
      %dma_start3A_271 = tpu.memref_slice %arg7[%mul3A_2] : memref<16384xf32, #tpu.memory_space<hbm>> -> memref<512xf32, #tpu.memory_space<hbm>>
      tpu.enqueue_dma source(%arg15 : memref<512xf32, #tpu.memory_space<vmem>>) target(%dma_start3A_271 : memref<512xf32, #tpu.memory_space<hbm>>) target_semaphore(%run_scoped3A_269 : memref<!tpu.dma_semaphore, #tpu.memory_space<semaphore_mem>>)
      %dma_wait3A_272 = tpu.memref_slice %arg7[%mul3A_2] : memref<16384xf32, #tpu.memory_space<hbm>> -> memref<512xf32, #tpu.memory_space<hbm>>
      %dma_wait3A_273 = tpu.memref_slice %arg7[%mul3A_2] : memref<16384xf32, #tpu.memory_space<hbm>> -> memref<512xf32, #tpu.memory_space<hbm>>
      tpu.wait_dma2 semaphore(%run_scoped3A_269 : memref<!tpu.dma_semaphore, #tpu.memory_space<semaphore_mem>>) src(%arg15 : memref<512xf32, #tpu.memory_space<vmem>>) dst(%dma_wait3A_273 : memref<512xf32, #tpu.memory_space<hbm>>)
      tpu.yield
    }) : () -> ()
    return
  }
}

</mosaic_0001>

<sc_bundles>
// kernel: kernel.3.cloned.1.call-start
scs
__scs_entry_jumppad:
0x0: {  	(pc) =	sbr.rel $0x88, $3  }
0x1: {  	(tag) =	ssettag $0x0;
	lr =	simm.s32 $0x1  }
0x2: {  	[smem:$0x3F9C] =	sst lr;
	_ =	strace $0xD0000000  }
0x3: {  	_ = 	snop  }
0x4: {  	_ = 	snop  }
0x5: {  	_ = 	snop  }
0x6: {  	_ = 	snop  }
0x7: {  	_ = 	snop  }
__scs_overlays_trampoline_lowered:
0x8: {  	[smem:$0x3FAB] =	sst s0  }
0x9: {  	[smem:$0x3FAC] =	sst s1  }
0xa: {  	[smem:$0x3FAD] =	sst s2  }
0xb: {  	[smem:$0x3FAE] =	sst s3  }
0xc: {  	[smem:$0x3FAF] =	sst s4  }
0xd: {  	[smem:$0x3FB0] =	sst s5  }
0xe: {  	[smem:$0x3FB1] =	sst s6  }
0xf: {  	[smem:$0x3FB2] =	sst s7  }
0x10: {  	[smem:$0x3FB3] =	sst s8  }
0x11: {  	[smem:$0x3FB4] =	sst s9;
	s0 =	simm.s32 @!p0 $0x0  }
0x12: {  	s1 =	sld [smem:$0x3F9A];
	s0 =	simm.s32 @p0 $0x1  }
0x13: {  	[smem:$0x3FB5] =	sst s0;
	s0 =	simm.s32 @!p1 $0x0  }
0x14: {  	s2 =	sld [smem:$0x3F99];
	s0 =	simm.s32 @p1 $0x1  }
0x15: {  	[smem:$0x3FB6] =	sst s0;
	s0 =	simm.s32 @!p2 $0x0  }
0x16: {  	s3 =	sld [smem:$0x3FDB];
	s0 =	simm.s32 @p2 $0x1  }
0x17: {  	s4 =	simm.s32 $0x1BF5;
	[smem:$0x3FB8] =	sst s0  }
0x18: {  	s0 =	sld [smem:$0x3F9B];
	_ =	swait.ge [sflag:s4], $0x0  }
0x19: {  	s7 =	sld [smem:$0x3F9C]  }
0x1a: {  	s8 =	sadd.s32 $0xFFFFE003, lr  }
0x1b: {  	s9 =	sadd.s32 $0xFFFFFEF7, lr;
	s5 =	simm.s32 $0xFFFFFFFF;
	p2 =	slt.u32 s8, $0xFFFFF086  }
0x1c: {  	p1 =	slt.u32 s9, $0xF7A;
	s5 =	simm.s32 @!p2 $0x0  }
0x1d: {  	s5 =	simm.s32 @p1 $0x1;
	p0 =	seq.s32 s7, s2  }
0x1e: {  	s7 =	smul.u32 @!p0 $0xF7A, s2;
	p2 =	seq.s32 @!p0 s5, $0x0  }
0x1f: {  	s9 =	smul.u32 $0xF7A, s1;
	s8 =	simm.s32 @!p0 $0x1BF5;
	p2 =	por !p2, p0  }
0x20: {  	[sflag:s8] =	ssyncset.s32 @!p0 $0xFFFFF086;
	s6 =	sadd.s32 @!p0 s3, s7;
	s7 =	simm.s32 @!p0 $0x108  }
0x21: {  	s3 =	sadd.s32 s3, s9;
	s6 =	sadd.s32 @!p0 $0x88, s6;
	s7 =	simm.s32 @p2 $0x1082  }
0x22: {  	[simem:s7], [sflag:s8] =	dma.local @!p0 [hbm:s6], $0xF7A  }
0x23: {  	s9 =	sor.u32 $0xD0000000, s2;
	s6 =	simm.s32 $0x108;
	_ =	swait.ge @!p0 [sflag:s8], $0x0  }
0x24: {  	s3 =	sadd.s32 $0x88, s3;
	s6 =	simm.s32 @!p1 $0x1082;
	[sflag:s4] =	ssyncset.s32 $0xFFFFF086  }
0x25: {  	[simem:s6], [sflag:s4] =	dma.local [hbm:s3], $0xF7A  }
0x26: {  	[smem:$0x3F9C] =	sst s1;
	(tag) =	ssettag s2;
	_ =	strace s9  }
0x27: {  	s1 =	sld [smem:$0x3FAC]  }
0x28: {  	s2 =	sld [smem:$0x3FAD]  }
0x29: {  	s4 =	sld [smem:$0x3FAF]  }
0x2a: {  	p0 =	seq.s32 s5, $0x0;
	s5 =	sld [smem:$0x3FB0]  }
0x2b: {  	s6 =	sld [smem:$0x3FB1]  }
0x2c: {  	s7 =	sld [smem:$0x3FB2]  }
0x2d: {  	s3 =	simm.s32 $0x108;
	s8 =	sld [smem:$0x3FB3]  }
0x2e: {  	s3 =	simm.s32 @!p0 $0x1082;
	s9 =	sld [smem:$0x3FB4]  }
0x2f: {  	lr =	sadd.s32 s0, s3;
	s0 =	sld [smem:$0x3FAB]  }
0x30: {  	s3 =	sld [smem:$0x3FAE]  }
0x31: {  	[smem:$0x3FB7] =	sst s10  }
0x32: {  	s10 =	sld [smem:$0x3FB5];
	_ =	sdelay $0x3  }
0x33: {  	p0 =	seq.s32 s10, $0x1;
	s10 =	sld [smem:$0x3FB7];
	_ =	sdelay $0x3  }
0x34: {  	[smem:$0x3FB7] =	sst s10  }
0x35: {  	s10 =	sld [smem:$0x3FB6];
	_ =	sdelay $0x3  }
0x36: {  	p1 =	seq.s32 s10, $0x1;
	s10 =	sld [smem:$0x3FB7];
	_ =	sdelay $0x3  }
0x37: {  	[smem:$0x3FB7] =	sst s10  }
0x38: {  	s10 =	sld [smem:$0x3FB8]  }
0x39: {  	_ = 	snop;
	(pc) =	sbr.ind lr, $3  }
0x3a: {  	_ = 	snop  }
0x3b: {  	_ = 	snop  }
0x3c: {  	p2 =	seq.s32 s10, $0x1;
	s10 =	sld [smem:$0x3FB7]  }
0x3d: {  	_ =	shalt  }
0x3e: {  	_ =	shalt  }
0x3f: {  	_ =	shalt  }
0x40: {  	_ =	shalt  }
0x41: {  	_ =	shalt  }
0x42: {  	_ =	shalt  }
0x43: {  	_ =	shalt  }
0x44: {  	_ =	shalt  }
0x45: {  	_ =	shalt  }
0x46: {  	_ =	shalt  }
0x47: {  	_ =	shalt  }
0x48: {  	_ =	shalt  }
0x49: {  	_ =	shalt  }
0x4a: {  	_ =	shalt  }
0x4b: {  	_ =	shalt  }
0x4c: {  	_ =	shalt  }
0x4d: {  	_ =	shalt  }
0x4e: {  	_ =	shalt  }
0x4f: {  	_ =	shalt  }
0x50: {  	_ =	shalt  }
0x51: {  	_ =	shalt  }
0x52: {  	_ =	shalt  }
0x53: {  	_ =	shalt  }
0x54: {  	_ =	shalt  }
0x55: {  	_ =	shalt  }
0x56: {  	_ =	shalt  }
0x57: {  	_ =	shalt  }
0x58: {  	_ =	shalt  }
0x59: {  	_ =	shalt  }
0x5a: {  	_ =	shalt  }
0x5b: {  	_ =	shalt  }
0x5c: {  	_ =	shalt  }
0x5d: {  	_ =	shalt  }
0x5e: {  	_ =	shalt  }
0x5f: {  	_ =	shalt  }
0x60: {  	_ =	shalt  }
0x61: {  	_ =	shalt  }
0x62: {  	_ =	shalt  }
0x63: {  	_ =	shalt  }
0x64: {  	_ =	shalt  }
0x65: {  	_ =	shalt  }
0x66: {  	_ =	shalt  }
0x67: {  	_ =	shalt  }
0x68: {  	_ =	shalt  }
0x69: {  	_ =	shalt  }
0x6a: {  	_ =	shalt  }
0x6b: {  	_ =	shalt  }
0x6c: {  	_ =	shalt  }
0x6d: {  	_ =	shalt  }
0x6e: {  	_ =	shalt  }
0x6f: {  	_ =	shalt  }
0x70: {  	_ =	shalt  }
0x71: {  	_ =	shalt  }
0x72: {  	_ =	shalt  }
0x73: {  	_ =	shalt  }
0x74: {  	_ =	shalt  }
0x75: {  	_ =	shalt  }
0x76: {  	_ =	shalt  }
0x77: {  	_ =	shalt  }
0x78: {  	_ =	shalt  }
0x79: {  	_ =	shalt  }
0x7a: {  	_ =	shalt  }
0x7b: {  	_ =	shalt  }
0x7c: {  	_ =	shalt  }
0x7d: {  	_ =	shalt  }
0x7e: {  	_ =	shalt  }
0x7f: {  	_ =	shalt  }
0x80: {  	_ =	shalt  }
0x81: {  	_ =	shalt  }
0x82: {  	_ =	shalt  }
0x83: {  	_ =	shalt  }
0x84: {  	_ =	shalt  }
0x85: {  	_ =	shalt  }
0x86: {  	_ =	shalt  }
0x87: {  	_ =	shalt  }
.Lfunc_end0:
.L_simem_size_0:
called_computation_lowered:
.L_overlay_start_0:
0x88: {  	s2 =	sld [smem:$0x3FD9]  }
0x89: {  	s3 =	sld [smem:$0x3FFE];
	_ =	sdelay $0x1  }
0x8a: {  	s1 =	srdreg.scid  }
0x8b: {  	s0 =	sand.u32 $0x1, s1  }
0x8c: {  	s17 =	sshll.u32 s0, $0xA;
	s2 =	sadd.s32 s3, s2  }
0x8d: {  	s2 =	sadd.s32 s2, s17  }
0x8e: {  	[smem:$0x3FC3] =	sst s2  }
0x8f: {  	_ = 	snop  }
0x90: {  	s2 =	sld [smem:$0x3FC9]  }
0x91: {  	s18 =	sld [smem:$0x3FC8]  }
0x92: {  	s4 =	sld [smem:$0x3FC7]  }
0x93: {  	s5 =	sld [smem:$0x3FD0];
	(tm) =	ssettm $0x1  }
0x94: {  	s6 =	sld [smem:$0x3FFB];
	_ =	sdelay $0x3  }
0x95: {  	_ =	strace s6  }
0x96: {  	s6 =	sld [smem:$0x3FFC];
	_ =	sdelay $0x3  }
0x97: {  	_ =	strace s6  }
0x98: {  	s6 =	sld [smem:$0x3FFD];
	_ =	sdelay $0x3  }
0x99: {  	_ =	strace s6  }
0x9a: {  	_ =	strace $0x8FFFFFFF  }
0x9b: {  	s19 =	sld [smem:$0x3FDB];
	_ =	sdelay $0x1  }
0x9c: {  	s7 =	simm.s32 $_scs_section_size  }
0x9d: {  	s8 =	simm.s32 $_size__tile_overlayer_lowered;
	s9 =	simm.s32 $_tile_overlayer_lowered  }
0x9e: {  	s22 =	simm.s32 $0x1BFF;
	s21 =	sshll.u32 s9, $0x1;
	s6 =	sadd.s32 s7, s19  }
0x9f: {  	s10 =	simm.s32 $0x0;
	s20 =	sshll.u32 s8, $0x1;
	s8 =	sadd.s32 s21, s6  }
0xa0: {  	[timem:s10], [sflag:s22] =	dma.local [hbm:s8], s20  }
0xa1: {  	_ =	swait.ge [sflag:s22], s20  }
0xa2: {  	s7 =	ssub.s32 $0x0, s20;
	[sflag:s22] =	ssyncset.done $0x0  }
0xa3: {  	[sflag:s22] =	ssyncadd.s32 s7;
	_ =	sdelay $0x1  }
0xa4: {  	s23 =	simm.s32 $0x1B8B  }
0xa5: {  	_ =	swait.ge [sflag:s23], $0x1  }
0xa6: {  	[sflag:s23] =	ssyncset.done $0x0  }
0xa7: {  	s25 =	simm.s32 $0x1B8E;
	s24 =	sld [smem:$0x3FFE];
	[sflag:s23] =	ssyncadd.s32 $0xFFFFFFFF  }
0xa8: {  	s26 =	simm.s32 $execute0_lowered;
	[smem:$0x3FD2] =	sst s25  }
0xa9: {  	s8 =	sshll.u32 s26, $0x1;
	_ =	strace $0x80000046;
	[dreg:$0x1] =	wrdreg $0xFFFFFFFF  }
0xaa: {  	s28 =	simm.s32 $_size_execute0_lowered;
	s6 =	sadd.s32 s6, s8;
	[dreg:$0x0] =	wrdreg $0x0  }
0xab: {  	s8 =	sshll.u32 s28, $0x1;
	[dreg:$0x2] =	wrdreg s6  }
0xac: {  	[dreg:$0x3] =	wrdreg s8  }
0xad: {  	[dreg:$0x4] =	wrdreg $0xC0  }
0xae: {  	_ =	task [dreg:s10], $0x5FFFF  }
0xaf: {  	[dreg:$0x1] =	wrdreg $0xFFFFFFFF  }
0xb0: {  	[dreg:$0x0] =	wrdreg $0x60  }
0xb1: {  	[dreg:$0x2] =	wrdreg s2  }
0xb2: {  	[dreg:$0x3] =	wrdreg s18  }
0xb3: {  	[dreg:$0x4] =	wrdreg s4  }
0xb4: {  	[dreg:$0x5] =	wrdreg s24  }
0xb5: {  	[dreg:$0x6] =	wrdreg s5  }
0xb6: {  	[dreg:$0x7] =	wrdreg $0x9  }
0xb7: {  	_ =	task.clear_ibuf [dreg:s10], $0x8FFFF;
	_ =	strace $0x90000046  }
0xb8: {  	s29 =	simm.s32 $0x9;
	_ =	strace $0x80000048  }
0xb9: {  	_ =	swait.ge [sflag:s29], $0x1  }
0xba: {  	[sflag:s29] =	ssyncadd.s32 $0xFFFFFFFF  }
0xbb: {  	_ =	strace $0x90000048  }
0xbc: {  	_ =	sfence  }
0xbd: {  	s30 =	sld [smem:$0x0];
	_ =	sdelay $0x2  }
0xbe: {  	s31 =	sshll.u32 s1, $0xD;
	s1 =	sshrl.u32 s1, $0x2  }
0xbf: {  	s3 =	sand.u32 $0x4000, s31;
	s1 =	sadd.s32 s1, s30  }
0xc0: {  	s0 =	sor.u32 s3, s0;
	s1 =	sshll.u32 s1, $0x11  }
0xc1: {  	s0 =	sor.u32 s1, s0  }
0xc2: {  	s0 =	sadd.s32 $0x8F2B, s0  }
0xc3: {  	[sflag:s0] =	ssyncadd.remote.s32 $0x1  }
0xc4: {  	_ =	sfence.sel $0xFFFF  }
0xc5: {  	[dreg:$0x0] =	wrdreg $0xFFFFFFFF;
	(pc) =	sbr.abs _section_cstart, $3  }
0xc6: {  	[dreg:$0x1] =	wrdreg $0xFFFFFFFF  }
0xc7: {  	_ =	task.clear_ibuf [dreg:s10], $0x2FFFF;
	_ =	strace $0x9FFFFFFF  }
0xc8: {  	(tm) =	ssettm $0x7FFFFFFF  }
0xc9: {  	_ =	shalt  }
tec
execute0_lowered:
.L_overlay_start_1:
0x0: {  	(tag) =	ssettag $0x1  }
0x1: {  	s0 =	rddreg [dreg:$0x0]  }
0x2: {  	s2 =	rddreg [dreg:$0x1]  }
0x3: {  	s5 =	rddreg [dreg:$0x2]  }
0x4: {  	s4 =	rddreg [dreg:$0x3]  }
0x5: {  	s6 =	rddreg [dreg:$0x4];
	s1 =	simm.s32 $0x0;
	s3 =	srdreg.scid  }
0x6: {  	s10 =	stileid.u32;
	s19 =	simm.s32 $0x2;
	s20 =	simm.s32 $0x200  }
0x7: {  	s21 =	simm.s32 $0x400;
	s22 =	simm.s32 $0x80;
	s28 =	simm.s32 $0x500  }
0x8: {  	s29 =	simm.s32 $0x180;
	s30 =	simm.s32 $0x380;
	s31 =	simm.s32 $0x580  }
0x9: {  	[smem:$0x7FF] =	sst s1;
	s7 =	sand.u32 $0x1, s3;
	s3 =	sadd.s32 $0xF42A00, s4  }
0xa: {  	s10 =	sshll.u32 s10, $0x7;
	s8 =	ssub.s32 $0x2, s7;
	s7 =	sshll.u32 s7, $0x6  }
0xb: {  	s4 =	sadd.s32 $0x600, s4;
	s9 =	sshrl.u32 s8, $0x1;
	s7 =	sor.u32 s7, s10  }
0xc: {  	_ =	strace $0x80000047;
	s8 =	ssub.s32 s8, s9;
	s23 =	sadd.s32 s0, s7  }
0xd: {  	s24 =	sadd.s32 s2, s7;
	s10 =	sor.u32 $0x10, s7;
	[dreg:$0x6] =	wrdreg s23  }
0xe: {  	v0 =	vlaneseq.u32;
	s25 =	sadd.s32 s5, s7;
	s13 =	sor.u32 $0x20, s7;
	[dreg:$0x7] =	wrdreg s24  }
0xf: {  	v0 =	vmul.u32 $0x10, v0;
	s16 =	sor.u32 $0x30, s7;
	s17 =	sadd.s32 s6, s7;
	[dreg:$0x8] =	wrdreg s25  }
0x10: {  	s26 =	sadd.s32 s0, s10;
	s9 =	sadd.s32 s2, s10;
	s10 =	sadd.s32 s5, s10  }
0x11: {  	v1 =	vor.u32 $0x1, v0;
	v2 =	vor.u32 $0x2, v0;
	v3 =	vor.u32 $0x3, v0;
	s11 =	sadd.s32 s0, s13;
	s12 =	sadd.s32 s2, s13;
	s13 =	sadd.s32 s5, s13  }
0x12: {  	v4 =	vor.u32 $0x4, v0;
	v5 =	vor.u32 $0x5, v0;
	v6 =	vor.u32 $0x6, v0;
	s14 =	sadd.s32 s0, s16;
	s15 =	sadd.s32 s2, s16;
	s16 =	sadd.s32 s5, s16  }
0x13: {  	v7 =	vor.u32 $0x7, v0;
	v8 =	vor.u32 $0x8, v0;
	v9 =	vor.u32 $0x9, v0;
	s18 =	smax.u32 s8, $0x1;
	s23 =	simm.s32 $0x280;
	s24 =	simm.s32 $0x480  }
0x14: {  	v10 =	vor.u32 $0xA, v0;
	v11 =	vor.u32 $0xB, v0;
	v12 =	vor.u32 $0xC, v0;
	s25 =	simm.s32 $0x100;
	s0 =	simm.s32 $0x1;
	s2 =	simm.s32 $0x18600  }
0x15: {  	v13 =	vor.u32 $0xD, v0;
	v14 =	vor.u32 $0xE, v0;
	v15 =	vor.u32 $0xF, v0;
	s5 =	simm.s32 $0x0;
	[dreg:$0x9] =	wrdreg s26;
	s26 =	simm.s32 $0x300  }
.LBB2_1:
0x16: {  	s6 =	rddreg [dreg:$0x6]  }
0x17: {  	[tilespmem:s1], [sflag:$0x2] =	stream.linear.gather [hbm4b:s6+s1], $0x80, $0x38;
	[tilespmem:$0x1A800] =	vst v63  }
0x18: {  	_ =	swait.ge [sflag:s19], $0x80  }
0x19: {  	[sflag:s19] =	ssyncset.done $0x0  }
0x1a: {  	s7 =	rddreg [dreg:$0x7];
	[sflag:s19] =	ssyncadd.s32 $0xFFFFFF80  }
0x1b: {  	[tilespmem:s20], [sflag:$0x2] =	stream.linear.gather [hbm4b:s7+s1], $0x80, $0x38;
	[tilespmem:$0x1A800] =	vst v63  }
0x1c: {  	_ =	swait.ge [sflag:s19], $0x80  }
0x1d: {  	[sflag:s19] =	ssyncset.done $0x0  }
0x1e: {  	s8 =	rddreg [dreg:$0x8];
	[sflag:s19] =	ssyncadd.s32 $0xFFFFFF80  }
0x1f: {  	[tilespmem:s21], [sflag:$0x2] =	stream.linear.gather [hbm4b:s8+s1], $0x80, $0x38;
	[tilespmem:$0x1A800] =	vst v63  }
0x20: {  	_ =	swait.ge [sflag:s19], $0x80  }
0x21: {  	[sflag:s19] =	ssyncset.done $0x0  }
0x22: {  	s7 =	rddreg [dreg:$0x9];
	[sflag:s19] =	ssyncadd.s32 $0xFFFFFF80  }
0x23: {  	[tilespmem:s22], [sflag:$0x2] =	stream.linear.gather [hbm4b:s7+s1], $0x80, $0x38;
	[tilespmem:$0x1A800] =	vst v63  }
0x24: {  	_ =	swait.ge [sflag:s19], $0x80  }
0x25: {  	[sflag:s19] =	ssyncset.done $0x0  }
0x26: {  	[sflag:s19] =	ssyncadd.s32 $0xFFFFFF80  }
0x27: {  	[tilespmem:s23], [sflag:$0x2] =	stream.linear.gather [hbm4b:s9+s1], $0x80, $0x38;
	[tilespmem:$0x1A800] =	vst v63  }
0x28: {  	_ =	swait.ge [sflag:s19], $0x80  }
0x29: {  	[sflag:s19] =	ssyncset.done $0x0  }
0x2a: {  	[sflag:s19] =	ssyncadd.s32 $0xFFFFFF80  }
0x2b: {  	[tilespmem:s24], [sflag:$0x2] =	stream.linear.gather [hbm4b:s10+s1], $0x80, $0x38;
	[tilespmem:$0x1A800] =	vst v63  }
0x2c: {  	_ =	swait.ge [sflag:s19], $0x80  }
0x2d: {  	[sflag:s19] =	ssyncset.done $0x0  }
0x2e: {  	[sflag:s19] =	ssyncadd.s32 $0xFFFFFF80  }
0x2f: {  	[tilespmem:s25], [sflag:$0x2] =	stream.linear.gather [hbm4b:s11+s1], $0x80, $0x38;
	[tilespmem:$0x1A800] =	vst v63  }
0x30: {  	_ =	swait.ge [sflag:s19], $0x80  }
0x31: {  	[sflag:s19] =	ssyncset.done $0x0  }
0x32: {  	[sflag:s19] =	ssyncadd.s32 $0xFFFFFF80  }
0x33: {  	[tilespmem:s26], [sflag:$0x2] =	stream.linear.gather [hbm4b:s12+s1], $0x80, $0x38;
	[tilespmem:$0x1A800] =	vst v63  }
0x34: {  	_ =	swait.ge [sflag:s19], $0x80  }
0x35: {  	[sflag:s19] =	ssyncset.done $0x0  }
0x36: {  	[sflag:s19] =	ssyncadd.s32 $0xFFFFFF80  }
0x37: {  	[tilespmem:s28], [sflag:$0x2] =	stream.linear.gather [hbm4b:s13+s1], $0x80, $0x38;
	[tilespmem:$0x1A800] =	vst v63  }
0x38: {  	_ =	swait.ge [sflag:s19], $0x80  }
0x39: {  	[sflag:s19] =	ssyncset.done $0x0  }
0x3a: {  	[sflag:s19] =	ssyncadd.s32 $0xFFFFFF80  }
0x3b: {  	[tilespmem:s29], [sflag:$0x2] =	stream.linear.gather [hbm4b:s14+s1], $0x80, $0x38;
	[tilespmem:$0x1A800] =	vst v63  }
0x3c: {  	_ =	swait.ge [sflag:s19], $0x80  }
0x3d: {  	[sflag:s19] =	ssyncset.done $0x0  }
0x3e: {  	[sflag:s19] =	ssyncadd.s32 $0xFFFFFF80  }
0x3f: {  	[tilespmem:s30], [sflag:$0x2] =	stream.linear.gather [hbm4b:s15+s1], $0x80, $0x38;
	[tilespmem:$0x1A800] =	vst v63  }
0x40: {  	_ =	swait.ge [sflag:s19], $0x80  }
0x41: {  	[sflag:s19] =	ssyncset.done $0x0  }
0x42: {  	[sflag:s19] =	ssyncadd.s32 $0xFFFFFF80  }
0x43: {  	[tilespmem:s31], [sflag:$0x2] =	stream.linear.gather [hbm4b:s16+s1], $0x80, $0x38;
	[tilespmem:$0x1A800] =	vst v63  }
0x44: {  	_ =	swait.ge [sflag:s19], $0x80  }
0x45: {  	[sflag:s19] =	ssyncset.done $0x0  }
0x46: {  	s8 =	simm.s32 $0x600;
	[sflag:s19] =	ssyncadd.s32 $0xFFFFFF80  }
0x47: {  	[tilespmem:s8], [sflag:$0x1] =	stream.indirect.gather [hbm4b:s3+s22], $0x40, s1, s22, $0xb8;
	[tilespmem:$0x1A800] =	vst v63  }
0x48: {  	s7 =	simm.s32 $0x8600  }
0x49: {  	[tilespmem:s7], [sflag:$0x1] =	stream.indirect.gather [hbm4b:s4+s22], $0x40, s20, s22, $0xb8;
	[tilespmem:$0x1A800] =	vst v63  }
0x4a: {  	s8 =	simm.s32 $0x10600  }
0x4b: {  	[tilespmem:s8], [sflag:$0x1] =	stream.indirect.gather [hbm4b:s3+s22], $0x40, s21, s22, $0xb8;
	[tilespmem:$0x1A800] =	vst v63  }
0x4c: {  	s7 =	simm.s32 $0x2600  }
0x4d: {  	[tilespmem:s7], [sflag:$0x1] =	stream.indirect.gather [hbm4b:s3+s22], $0x40, s22, s22, $0xb8;
	[tilespmem:$0x1A800] =	vst v63  }
0x4e: {  	s8 =	simm.s32 $0xA600  }
0x4f: {  	[tilespmem:s8], [sflag:$0x1] =	stream.indirect.gather [hbm4b:s4+s22], $0x40, s23, s22, $0xb8;
	[tilespmem:$0x1A800] =	vst v63  }
0x50: {  	s7 =	simm.s32 $0x12600  }
0x51: {  	[tilespmem:s7], [sflag:$0x1] =	stream.indirect.gather [hbm4b:s3+s22], $0x40, s24, s22, $0xb8;
	[tilespmem:$0x1A800] =	vst v63  }
0x52: {  	s8 =	simm.s32 $0x4600  }
0x53: {  	[tilespmem:s8], [sflag:$0x1] =	stream.indirect.gather [hbm4b:s3+s22], $0x40, s25, s22, $0xb8;
	[tilespmem:$0x1A800] =	vst v63  }
0x54: {  	s7 =	simm.s32 $0xC600  }
0x55: {  	[tilespmem:s7], [sflag:$0x1] =	stream.indirect.gather [hbm4b:s4+s22], $0x40, s26, s22, $0xb8;
	[tilespmem:$0x1A800] =	vst v63  }
0x56: {  	s8 =	simm.s32 $0x14600  }
0x57: {  	[tilespmem:s8], [sflag:$0x1] =	stream.indirect.gather [hbm4b:s3+s22], $0x40, s28, s22, $0xb8;
	[tilespmem:$0x1A800] =	vst v63  }
0x58: {  	s7 =	simm.s32 $0x6600  }
0x59: {  	[tilespmem:s7], [sflag:$0x1] =	stream.indirect.gather [hbm4b:s3+s22], $0x40, s29, s22, $0xb8;
	[tilespmem:$0x1A800] =	vst v63  }
0x5a: {  	s8 =	simm.s32 $0xE600  }
0x5b: {  	[tilespmem:s8], [sflag:$0x1] =	stream.indirect.gather [hbm4b:s4+s22], $0x40, s30, s22, $0xb8;
	[tilespmem:$0x1A800] =	vst v63  }
0x5c: {  	s7 =	simm.s32 $0x16600  }
0x5d: {  	[tilespmem:s7], [sflag:$0x1] =	stream.indirect.gather [hbm4b:s3+s22], $0x40, s31, s22, $0xb8;
	[tilespmem:$0x1A800] =	vst v63  }
0x5e: {  	_ =	swait.ge [sflag:s0], $0x2000  }
0x5f: {  	[sflag:s0] =	ssyncset.done $0x0  }
0x60: {  	[sflag:s0] =	ssyncadd.s32 $0xFFFFE000  }
0x61: {  	_ =	swait.ge [sflag:s0], $0x2000  }
0x62: {  	[sflag:s0] =	ssyncset.done $0x0  }
0x63: {  	[sflag:s0] =	ssyncadd.s32 $0xFFFFE000  }
0x64: {  	_ =	swait.ge [sflag:s0], $0x2000  }
0x65: {  	[sflag:s0] =	ssyncset.done $0x0  }
0x66: {  	[sflag:s0] =	ssyncadd.s32 $0xFFFFE000  }
0x67: {  	_ =	swait.ge [sflag:s0], $0x2000  }
0x68: {  	[sflag:s0] =	ssyncset.done $0x0  }
0x69: {  	[sflag:s0] =	ssyncadd.s32 $0xFFFFE000  }
0x6a: {  	_ =	swait.ge [sflag:s0], $0x2000  }
0x6b: {  	[sflag:s0] =	ssyncset.done $0x0  }
0x6c: {  	[sflag:s0] =	ssyncadd.s32 $0xFFFFE000  }
0x6d: {  	_ =	swait.ge [sflag:s0], $0x2000  }
0x6e: {  	[sflag:s0] =	ssyncset.done $0x0  }
0x6f: {  	[sflag:s0] =	ssyncadd.s32 $0xFFFFE000  }
0x70: {  	_ =	swait.ge [sflag:s0], $0x2000  }
0x71: {  	[sflag:s0] =	ssyncset.done $0x0  }
0x72: {  	[sflag:s0] =	ssyncadd.s32 $0xFFFFE000  }
0x73: {  	_ =	swait.ge [sflag:s0], $0x2000  }
0x74: {  	[sflag:s0] =	ssyncset.done $0x0  }
0x75: {  	[sflag:s0] =	ssyncadd.s32 $0xFFFFE000  }
0x76: {  	_ =	swait.ge [sflag:s0], $0x2000  }
0x77: {  	[sflag:s0] =	ssyncset.done $0x0  }
0x78: {  	[sflag:s0] =	ssyncadd.s32 $0xFFFFE000  }
0x79: {  	_ =	swait.ge [sflag:s0], $0x2000  }
0x7a: {  	[sflag:s0] =	ssyncset.done $0x0  }
0x7b: {  	[sflag:s0] =	ssyncadd.s32 $0xFFFFE000  }
0x7c: {  	_ =	swait.ge [sflag:s0], $0x2000  }
0x7d: {  	[sflag:s0] =	ssyncset.done $0x0  }
0x7e: {  	[sflag:s0] =	ssyncadd.s32 $0xFFFFE000  }
0x7f: {  	_ =	swait.ge [sflag:s0], $0x2000  }
0x80: {  	[sflag:s0] =	ssyncset.done $0x0  }
0x81: {  	s8 =	simm.s32 $0x0;
	[sflag:s0] =	ssyncadd.s32 $0xFFFFE000  }
0x82: {  	v16 =	vld [tilespmem:s8+$0x10620]  }
0x83: {  	v17 =	vld [tilespmem:s8+$0x10600]  }
0x84: {  	v18 =	vld [tilespmem:s8+$0x620]  }
0x85: {  	v19 =	vld [tilespmem:s8+$0x8600]  }
0x86: {  	v20 =	vld [tilespmem:s8+$0x600]  }
0x87: {  	v21 =	vld [tilespmem:s8+$0x610]  }
0x88: {  	v22 =	vld [tilespmem:s8+$0x8610]  }
0x89: {  	v23 =	vld [tilespmem:s8+$0x8620]  }
0x8a: {  	v24 =	vld [tilespmem:s8+$0x10610]  }
0x8b: {  	v25 =	vld [tilespmem:s8+$0x630]  }
0x8c: {  	v26 =	vld [tilespmem:s8+$0x8630]  }
0x8d: {  	v19 =	vmul.f32 v19, v20;
	v20 =	vmul.f32 v22, v21  }
0x8e: {  	v18 =	vmul.f32 v23, v18;
	v21 =	vld [tilespmem:s8+$0x10630]  }
0x8f: {  	v17 =	vmul.f32 v17, v19;
	v19 =	vmul.f32 v24, v20;
	_ =	sdelay $0x1  }
0x90: {  	v16 =	vmul.f32 v16, v18;
	v18 =	vmul.f32 v26, v25;
	v17 =	vadd.f32 v19, v17;
	_ =	sdelay $0x1  }
0x91: {  	v16 =	vadd.f32 v16, v17;
	v17 =	vmul.f32 v21, v18;
	_ =	sdelay $0x1  }
0x92: {  	v16 =	vadd.f32 v17, v16;
	_ =	sdelay $0x1  }
0x93: {  	s8 =	simm.s32 $0x40;
	[tilespmem:s2+$0x0] =	vst v16  }
0x94: {  	v16 =	vld [tilespmem:s8+$0x10620]  }
0x95: {  	v17 =	vld [tilespmem:s8+$0x10600]  }
0x96: {  	v18 =	vld [tilespmem:s8+$0x620]  }
0x97: {  	v19 =	vld [tilespmem:s8+$0x8600]  }
0x98: {  	v20 =	vld [tilespmem:s8+$0x600]  }
0x99: {  	s6 =	simm.s32 $0x18600;
	s7 =	simm.s32 $0x200;
	v21 =	vld [tilespmem:s8+$0x610]  }
.LBB2_2:
0x9a: {  	p0 =	sne.s32 s7, $0x1FF00;
	v22 =	vld [tilespmem:s8+$0x8610]  }
0x9b: {  	v23 =	vld [tilespmem:s8+$0x8620]  }
0x9c: {  	v24 =	vld [tilespmem:s8+$0x10610]  }
0x9d: {  	v25 =	vld [tilespmem:s8+$0x630]  }
0x9e: {  	v26 =	vld [tilespmem:s8+$0x8630]  }
0x9f: {  	v19 =	vmul.f32 v19, v20;
	v20 =	vmul.f32 v22, v21  }
0xa0: {  	v18 =	vmul.f32 v23, v18;
	v21 =	vld [tilespmem:s8+$0x10630]  }
0xa1: {  	v17 =	vmul.f32 v17, v19;
	v19 =	vmul.f32 v24, v20;
	_ =	sdelay $0x1  }
0xa2: {  	v16 =	vmul.f32 v16, v18;
	v17 =	vadd.f32 v19, v17;
	v18 =	vmul.f32 v26, v25;
	_ =	sdelay $0x1  }
0xa3: {  	v16 =	vadd.f32 v16, v17;
	v17 =	vmul.f32 v21, v18;
	_ =	sdelay $0x1  }
0xa4: {  	v16 =	vadd.f32 v17, v16  }
0xa5: {  	s6 =	sadd.s32 $0x10, s6  }
0xa6: {  	s8 =	sshra.s32 s7, $0x2;
	[tilespmem:s6+$0x0] =	vst v16  }
0xa7: {  	v16 =	vld [tilespmem:s8+$0x10620]  }
.Ltmp0:
0xa8: {  	v17 =	vld [tilespmem:s8+$0x10600];
	(pc) =	sbr.rel @p0 .LBB2_2-.Ltmp0, $4  }
0xa9: {  	v18 =	vld [tilespmem:s8+$0x620]  }
0xaa: {  	v19 =	vld [tilespmem:s8+$0x8600]  }
0xab: {  	v20 =	vld [tilespmem:s8+$0x600]  }
0xac: {  	s7 =	sadd.s32 $0x100, s7;
	v21 =	vld [tilespmem:s8+$0x610]  }
0xad: {  	v22 =	vld [tilespmem:s8+$0x8610]  }
0xae: {  	v23 =	vld [tilespmem:s8+$0x8620]  }
0xaf: {  	v24 =	vld [tilespmem:s8+$0x10610]  }
0xb0: {  	v25 =	vld [tilespmem:s8+$0x630]  }
0xb1: {  	v26 =	vld [tilespmem:s8+$0x8630]  }
0xb2: {  	v19 =	vmul.f32 v19, v20;
	v20 =	vmul.f32 v22, v21  }
0xb3: {  	v48 =	vld [tilespmem:s8+$0x10630];
	v18 =	vmul.f32 v23, v18  }
0xb4: {  	v17 =	vmul.f32 v17, v19;
	v19 =	vmul.f32 v24, v20;
	_ =	sdelay $0x1  }
0xb5: {  	v16 =	vmul.f32 v16, v18;
	v18 =	vmul.f32 v26, v25;
	v17 =	vadd.f32 v19, v17  }
0xb6: {  	s7 =	simm.s32 $0x0  }
0xb7: {  	v16 =	vadd.f32 v16, v17;
	v17 =	vmul.f32 v48, v18;
	v18 =	vor.u32 s7, v1  }
0xb8: {  	v19 =	vor.u32 s7, v0  }
0xb9: {  	v16 =	vadd.f32 v17, v16  }
0xba: {  	s6 =	sadd.s32 $0x10, s6;
	v17 =	vor.u32 s7, v2  }
0xbb: {  	[tilespmem:s6+$0x0] =	vst v16  }
0xbc: {  	v16 =	vld.idx.msk [tilespmem:v18+s2+$0x0], $0xffff;
	v18 =	vor.u32 s7, v3  }
0xbd: {  	v19 =	vld.idx.msk [tilespmem:v19+s2+$0x0], $0xffff  }
0xbe: {  	v20 =	vor.u32 s7, v4  }
0xbf: {  	v17 =	vld.idx.msk [tilespmem:v17+s2+$0x0], $0xffff  }
0xc0: {  	v49 =	vor.u32 s7, v5  }
0xc1: {  	v18 =	vld.idx.msk [tilespmem:v18+s2+$0x0], $0xffff  }
0xc2: {  	v50 =	vor.u32 s7, v6;
	v16 =	vadd.f32 v16, v19  }
0xc3: {  	v19 =	vld.idx.msk [tilespmem:v20+s2+$0x0], $0xffff  }
0xc4: {  	v20 =	vor.u32 s7, v7;
	v16 =	vadd.f32 v17, v16  }
0xc5: {  	v17 =	vld.idx.msk [tilespmem:v49+s2+$0x0], $0xffff  }
0xc6: {  	v51 =	vor.u32 s7, v8;
	v16 =	vadd.f32 v18, v16  }
0xc7: {  	v18 =	vld.idx.msk [tilespmem:v50+s2+$0x0], $0xffff  }
0xc8: {  	v52 =	vor.u32 s7, v9;
	v16 =	vadd.f32 v19, v16  }
0xc9: {  	v19 =	vld.idx.msk [tilespmem:v20+s2+$0x0], $0xffff  }
0xca: {  	v20 =	vor.u32 s7, v10;
	v16 =	vadd.f32 v17, v16  }
0xcb: {  	v17 =	vld.idx.msk [tilespmem:v51+s2+$0x0], $0xffff  }
0xcc: {  	v53 =	vor.u32 s7, v11;
	v16 =	vadd.f32 v18, v16  }
0xcd: {  	v18 =	vld.idx.msk [tilespmem:v52+s2+$0x0], $0xffff  }
0xce: {  	v54 =	vor.u32 s7, v12;
	v16 =	vadd.f32 v19, v16  }
0xcf: {  	v19 =	vld.idx.msk [tilespmem:v20+s2+$0x0], $0xffff  }
0xd0: {  	v20 =	vor.u32 s7, v13;
	v16 =	vadd.f32 v17, v16  }
0xd1: {  	v17 =	vld.idx.msk [tilespmem:v53+s2+$0x0], $0xffff  }
0xd2: {  	v55 =	vor.u32 s7, v14;
	v16 =	vadd.f32 v18, v16  }
0xd3: {  	v18 =	vld.idx.msk [tilespmem:v54+s2+$0x0], $0xffff  }
0xd4: {  	v56 =	vor.u32 s7, v15;
	v16 =	vadd.f32 v19, v16  }
0xd5: {  	v19 =	vld.idx.msk [tilespmem:v20+s2+$0x0], $0xffff  }
0xd6: {  	v16 =	vadd.f32 v17, v16  }
0xd7: {  	v17 =	vld.idx.msk [tilespmem:v55+s2+$0x0], $0xffff  }
0xd8: {  	v16 =	vadd.f32 v18, v16  }
0xd9: {  	v18 =	vld.idx.msk [tilespmem:v56+s2+$0x0], $0xffff  }
0xda: {  	v16 =	vadd.f32 v19, v16  }
0xdb: {  	s8 =	simm.s32 $0x100  }
0xdc: {  	v19 =	vor.u32 s8, v1;
	v16 =	vadd.f32 v17, v16  }
0xdd: {  	v17 =	vor.u32 s8, v0  }
0xde: {  	v16 =	vadd.f32 v18, v16  }
0xdf: {  	s6 =	simm.s32 $0x1A600;
	v18 =	vor.u32 s8, v2  }
0xe0: {  	[tilespmem:s6+$0x0] =	vst v16  }
0xe1: {  	v16 =	vld.idx.msk [tilespmem:v19+s2+$0x0], $0xffff;
	v19 =	vor.u32 s8, v3  }
0xe2: {  	v17 =	vld.idx.msk [tilespmem:v17+s2+$0x0], $0xffff  }
0xe3: {  	v20 =	vor.u32 s8, v4  }
0xe4: {  	v18 =	vld.idx.msk [tilespmem:v18+s2+$0x0], $0xffff  }
0xe5: {  	v57 =	vor.u32 s8, v5  }
0xe6: {  	v19 =	vld.idx.msk [tilespmem:v19+s2+$0x0], $0xffff  }
0xe7: {  	v58 =	vor.u32 s8, v6;
	v16 =	vadd.f32 v16, v17  }
0xe8: {  	v17 =	vld.idx.msk [tilespmem:v20+s2+$0x0], $0xffff  }
0xe9: {  	v20 =	vor.u32 s8, v7;
	v16 =	vadd.f32 v18, v16  }
0xea: {  	v18 =	vld.idx.msk [tilespmem:v57+s2+$0x0], $0xffff  }
0xeb: {  	v59 =	vor.u32 s8, v8;
	v16 =	vadd.f32 v19, v16  }
0xec: {  	v19 =	vld.idx.msk [tilespmem:v58+s2+$0x0], $0xffff  }
0xed: {  	v60 =	vor.u32 s8, v9;
	v16 =	vadd.f32 v17, v16  }
0xee: {  	v17 =	vld.idx.msk [tilespmem:v20+s2+$0x0], $0xffff  }
0xef: {  	v20 =	vor.u32 s8, v10;
	v16 =	vadd.f32 v18, v16  }
0xf0: {  	v18 =	vld.idx.msk [tilespmem:v59+s2+$0x0], $0xffff  }
0xf1: {  	v61 =	vor.u32 s8, v11;
	v16 =	vadd.f32 v19, v16  }
0xf2: {  	v19 =	vld.idx.msk [tilespmem:v60+s2+$0x0], $0xffff  }
0xf3: {  	v16 =	vadd.f32 v17, v16  }
0xf4: {  	v17 =	vld.idx.msk [tilespmem:v20+s2+$0x0], $0xffff  }
0xf5: {  	v62 =	vor.u32 s8, v12;
	v16 =	vadd.f32 v18, v16  }
0xf6: {  	v18 =	vld.idx.msk [tilespmem:v61+s2+$0x0], $0xffff  }
0xf7: {  	v20 =	vor.u32 s8, v13;
	v16 =	vadd.f32 v19, v16;
	_ =	sdelay $0x1  }
0xf8: {  	v63 =	vor.u32 s8, v14;
	v16 =	vadd.f32 v17, v16  }
0xf9: {  	v19 =	vld.idx.msk [tilespmem:v62+s2+$0x0], $0xffff  }
0xfa: {  	v16 =	vadd.f32 v18, v16;
	v18 =	vor.u32 s8, v15  }
0xfb: {  	v17 =	vld.idx.msk [tilespmem:v20+s2+$0x0], $0xffff;
	_ =	sdelay $0x1  }
0xfc: {  	v20 =	vld.idx.msk [tilespmem:v63+s2+$0x0], $0xffff  }
0xfd: {  	v16 =	vadd.f32 v19, v16  }
0xfe: {  	v18 =	vld.idx.msk [tilespmem:v18+s2+$0x0], $0xffff  }
0xff: {  	v17 =	vadd.f32 v17, v16  }
0x100: {  	s7 =	simm.s32 $0x200  }
0x101: {  	v16 =	vor.u32 s7, v1;
	v19 =	vadd.f32 v20, v17  }
0x102: {  	s8 =	simm.s32 $0x300;
	v17 =	vor.u32 s7, v0  }
.LBB2_4:
0x103: {  	p0 =	sne.s32 s8, $0x1F00;
	v18 =	vadd.f32 v18, v19  }
0x104: {  	v19 =	vor.u32 s7, v2;
	s6 =	sadd.s32 $0x10, s6  }
0x105: {  	[tilespmem:s6+$0x0] =	vst v18  }
0x106: {  	v18 =	vor.u32 s7, v3;
	v16 =	vld.idx.msk [tilespmem:v16+s2+$0x0], $0xffff  }
0x107: {  	v17 =	vld.idx.msk [tilespmem:v17+s2+$0x0], $0xffff  }
0x108: {  	v20 =	vor.u32 s7, v4  }
0x109: {  	v19 =	vld.idx.msk [tilespmem:v19+s2+$0x0], $0xffff  }
0x10a: {  	v21 =	vor.u32 s7, v5  }
0x10b: {  	v18 =	vld.idx.msk [tilespmem:v18+s2+$0x0], $0xffff  }
0x10c: {  	v22 =	vor.u32 s7, v6  }
0x10d: {  	v16 =	vadd.f32 v16, v17;
	v17 =	vld.idx.msk [tilespmem:v20+s2+$0x0], $0xffff  }
0x10e: {  	v20 =	vor.u32 s7, v7  }
0x10f: {  	v16 =	vadd.f32 v19, v16;
	v19 =	vld.idx.msk [tilespmem:v21+s2+$0x0], $0xffff  }
0x110: {  	v21 =	vor.u32 s7, v8  }
0x111: {  	v16 =	vadd.f32 v18, v16;
	v18 =	vld.idx.msk [tilespmem:v22+s2+$0x0], $0xffff  }
0x112: {  	v22 =	vor.u32 s7, v9  }
0x113: {  	v16 =	vadd.f32 v17, v16;
	v17 =	vld.idx.msk [tilespmem:v20+s2+$0x0], $0xffff  }
0x114: {  	v20 =	vor.u32 s7, v10  }
0x115: {  	v16 =	vadd.f32 v19, v16;
	v19 =	vld.idx.msk [tilespmem:v21+s2+$0x0], $0xffff  }
0x116: {  	v21 =	vor.u32 s7, v11  }
0x117: {  	v16 =	vadd.f32 v18, v16;
	v18 =	vld.idx.msk [tilespmem:v22+s2+$0x0], $0xffff  }
0x118: {  	v22 =	vor.u32 s7, v12  }
0x119: {  	v16 =	vadd.f32 v17, v16;
	v17 =	vld.idx.msk [tilespmem:v20+s2+$0x0], $0xffff  }
0x11a: {  	v20 =	vor.u32 s7, v13  }
0x11b: {  	v16 =	vadd.f32 v19, v16;
	v19 =	vld.idx.msk [tilespmem:v21+s2+$0x0], $0xffff  }
0x11c: {  	v21 =	vor.u32 s7, v14  }
0x11d: {  	v16 =	vadd.f32 v18, v16;
	v18 =	vld.idx.msk [tilespmem:v22+s2+$0x0], $0xffff  }
0x11e: {  	v22 =	vor.u32 s7, v15;
	s7 =	smov.u32 s8  }
0x11f: {  	v16 =	vadd.f32 v17, v16;
	v17 =	vld.idx.msk [tilespmem:v20+s2+$0x0], $0xffff;
	_ =	sdelay $0x1  }
0x120: {  	v16 =	vadd.f32 v19, v16;
	v19 =	vld.idx.msk [tilespmem:v21+s2+$0x0], $0xffff;
	_ =	sdelay $0x1  }
0x121: {  	v16 =	vadd.f32 v18, v16;
	v18 =	vld.idx.msk [tilespmem:v22+s2+$0x0], $0xffff  }
.Ltmp1:
0x122: {  	(pc) =	sbr.rel @p0 .LBB2_4-.Ltmp1, $3  }
0x123: {  	v17 =	vadd.f32 v17, v16;
	_ =	sdelay $0x1  }
0x124: {  	v16 =	vor.u32 s8, v1;
	v19 =	vadd.f32 v19, v17  }
0x125: {  	s8 =	sadd.s32 $0x100, s8;
	v17 =	vor.u32 s7, v0  }
0x126: {  	_ = 	snop  }
0x127: {  	v18 =	vadd.f32 v18, v19  }
0x128: {  	v45 =	vor.u32 s7, v2;
	s6 =	sadd.s32 $0x10, s6  }
0x129: {  	[tilespmem:s6+$0x0] =	vst v18  }
0x12a: {  	v46 =	vor.u32 s7, v3;
	v16 =	vld.idx.msk [tilespmem:v16+s2+$0x0], $0xffff  }
0x12b: {  	v17 =	vld.idx.msk [tilespmem:v17+s2+$0x0], $0xffff  }
0x12c: {  	v20 =	vor.u32 s7, v4  }
0x12d: {  	v19 =	vld.idx.msk [tilespmem:v45+s2+$0x0], $0xffff  }
0x12e: {  	v21 =	vor.u32 s7, v5  }
0x12f: {  	v18 =	vld.idx.msk [tilespmem:v46+s2+$0x0], $0xffff  }
0x130: {  	v22 =	vor.u32 s7, v6;
	v16 =	vadd.f32 v16, v17  }
0x131: {  	v17 =	vld.idx.msk [tilespmem:v20+s2+$0x0], $0xffff  }
0x132: {  	v47 =	vor.u32 s7, v7;
	v16 =	vadd.f32 v19, v16  }
0x133: {  	v48 =	vld.idx.msk [tilespmem:v21+s2+$0x0], $0xffff  }
0x134: {  	v49 =	vor.u32 s7, v8;
	v16 =	vadd.f32 v18, v16  }
0x135: {  	v50 =	vld.idx.msk [tilespmem:v22+s2+$0x0], $0xffff  }
0x136: {  	v51 =	vor.u32 s7, v9;
	v16 =	vadd.f32 v17, v16  }
0x137: {  	v17 =	vld.idx.msk [tilespmem:v47+s2+$0x0], $0xffff  }
0x138: {  	v52 =	vor.u32 s7, v10;
	v16 =	vadd.f32 v48, v16  }
0x139: {  	v53 =	vld.idx.msk [tilespmem:v49+s2+$0x0], $0xffff  }
0x13a: {  	v54 =	vor.u32 s7, v11;
	v16 =	vadd.f32 v50, v16  }
0x13b: {  	v55 =	vld.idx.msk [tilespmem:v51+s2+$0x0], $0xffff  }
0x13c: {  	v56 =	vor.u32 s7, v12;
	v16 =	vadd.f32 v17, v16  }
0x13d: {  	v17 =	vld.idx.msk [tilespmem:v52+s2+$0x0], $0xffff  }
0x13e: {  	v57 =	vor.u32 s7, v13;
	v16 =	vadd.f32 v53, v16  }
0x13f: {  	v58 =	vld.idx.msk [tilespmem:v54+s2+$0x0], $0xffff  }
0x140: {  	v59 =	vor.u32 s7, v14;
	v16 =	vadd.f32 v55, v16  }
0x141: {  	v60 =	vld.idx.msk [tilespmem:v56+s2+$0x0], $0xffff  }
0x142: {  	v61 =	vor.u32 s7, v15;
	v16 =	vadd.f32 v17, v16  }
0x143: {  	v17 =	vld.idx.msk [tilespmem:v57+s2+$0x0], $0xffff  }
0x144: {  	v16 =	vadd.f32 v58, v16  }
0x145: {  	v62 =	vld.idx.msk [tilespmem:v59+s2+$0x0], $0xffff  }
0x146: {  	v16 =	vadd.f32 v60, v16  }
0x147: {  	v63 =	vld.idx.msk [tilespmem:v61+s2+$0x0], $0xffff  }
0x148: {  	v16 =	vadd.f32 v17, v16;
	_ =	sdelay $0x1  }
0x149: {  	v16 =	vadd.f32 v62, v16;
	_ =	sdelay $0x1  }
0x14a: {  	s5 =	sadd.s32 $0x1, s5;
	v16 =	vadd.f32 v63, v16  }
0x14b: {  	p0 =	sne.s32 s5, s18;
	s6 =	sadd.s32 $0x10, s6  }
.Ltmp2:
0x14c: {  	s8 =	simm.s32 $0x1A600;
	[tilespmem:s6+$0x0] =	vst v16;
	(pc) =	sbr.rel @p0 .LBB2_1-.Ltmp2, $4  }
0x14d: {  	[hbm4b:s17+s1] =	stream.linear.scatter [tilespmem:s8], [sflag:$0x2], $0x200, $0x38;
	[tilespmem:$0x1A800] =	vst v63  }
0x14e: {  	_ =	swait.ge [sflag:s19], $0x200  }
0x14f: {  	[sflag:s19] =	ssyncset.done $0x0  }
0x150: {  	[sflag:s19] =	ssyncadd.s32 $0xFFFFFE00  }
0x151: {  	_ =	sfence.sel $0x180000  }
0x152: {  	[bflag:$0x0] =	sbarrier.arrive $0xFFFF  }
0x153: {  	_ =	strace $0x90000047  }
0x154: {  	s0 =	stileid.u32;
	[bflag:$0x2] =	sbarrier.arrive $0xFFFF  }
0x155: {  	p0 =	sne.s32 s0, $0x0;
	s0 =	rddreg [dreg:$0x5]  }
0x156: {  	s0 =	sadd.s32 @!p0 $0x100000, s0  }
0x157: {  	[sflag:s0] =	ssyncadd.tile.s32 @!p0 $0x1;
	_ =	shalt  }
.Lfunc_end2:
_tile_overlayer_lowered:
.L_overlay_start_2:
0x158: {  	(tag) =	ssettag $0x2  }
0x159: {  	s0 =	rddreg [dreg:$0x0];
	s2 =	stileid.u32  }
0x15a: {  	s1 =	rddreg [dreg:$0x1];
	p0 =	sne.s32 s2, $0x0  }
0x15b: {  	s3 =	rddreg [dreg:$0x2];
	[bflag:$0x3] =	sbarrier.arrive $0xFFFF;
	s2 =	simm.s32 @!p0 $0x1C02  }
0x15c: {  	[timem:s3], [sflag:s2] =	dma.local @!p0 [hbm:s0], s1  }
0x15d: {  	s0 =	simm.s32 @!p0 $0x2  }
0x15e: {  	_ =	swait.ge @!p0 [sflag:s0], s1  }
0x15f: {  	s1 =	ssub.s32 @!p0 $0x0, s1;
	[sflag:s0] =	ssyncset.done @!p0 $0x0  }
0x160: {  	[sflag:s0] =	ssyncadd.s32 @!p0 s1  }
0x161: {  	[bflag:$0x3] =	sbarrier.arrive $0xFFFF  }
0x162: {  	_ =	shalt  }

</sc_bundles>
